<compile_context>
chip_gen: v7x
topology: tpu7x:2x2x1
jax: 0.10.2.dev20260603
libtpu: 0.0.44.dev20260713+nightly
codegen_flags: <defaults>
</compile_context>

<pallas_src>
import functools
import jax
import jax.numpy as jnp
from jax import lax
from jax.experimental import pallas as pl
from jax.experimental.pallas import tpu as pltpu
from jax.experimental.pallas import tpu_sc as plsc

NC = 2
NS = 16
L = 16
NW = NC * NS

EMSIZE = 64
GR = 128
GSZ = 2
NB = 2 * GSZ


def _make_kernel(T: int, B: int, num_embs: int):
    assert B // NW == GR
    nsteps = T // GSZ
    nrounds = nsteps // 2
    mesh = plsc.VectorSubcoreMesh(core_axis_name="c", subcore_axis_name="s")

    scratch = [
        pltpu.VMEM((T, GR), jnp.float32),
        pltpu.VMEM((T, GR), jnp.int32),
        pltpu.VMEM((NB * GR, 2 * EMSIZE), jnp.float32),
    ]
    scratch += [pltpu.SemaphoreType.DMA] * (2 * NB)

    @functools.partial(
        pl.kernel,
        mesh=mesh,
        compiler_params=pltpu.CompilerParams(use_tc_tiling_on_sc=True),
        out_type=jax.ShapeDtypeStruct((T, B, 2 * EMSIZE), jnp.float32),
        scratch_types=scratch,
    )
    def k(x_hbm, emb_hbm, out_hbm, xf_v, idx_v, g_v, *sems):
        sem_g = sems[:NB]
        sem_s = sems[NB:]
        wid = lax.axis_index("s") * NC + lax.axis_index("c")
        c0 = wid * GR

        pltpu.sync_copy(x_hbm.at[:, pl.ds(c0, GR)], xf_v)

        def idx_body(t):
            for i in range(GR // L):
                v = xf_v[t, pl.ds(i * L, L)]
                bad = jnp.isnan(v) | jnp.isinf(v)
                safe = jnp.where(bad, 0.0, v)
                iv = jnp.clip(safe.astype(jnp.int32), 0, num_embs - 2)
                iv = jnp.where(bad, num_embs - 1, iv)
                idx_v[t, pl.ds(i * L, L)] = iv

        pl.loop(0, T)(idx_body)

        def fire_gather(slot, t):
            pltpu.async_copy(
                emb_hbm.at[idx_v.at[t]],
                g_v.at[pl.ds(slot * GR, GR)],
                sem_g[slot],
            )

        def wait_gather(slot):
            pltpu.make_async_copy(
                emb_hbm.at[pl.ds(0, GR)],
                g_v.at[pl.ds(slot * GR, GR)],
                sem_g[slot],
            ).wait()

        def fire_store(slot, t):
            pltpu.async_copy(
                g_v.at[pl.ds(slot * GR, GR)],
                out_hbm.at[t, pl.ds(c0, GR)],
                sem_s[slot],
            )

        def wait_store(slot):
            pltpu.make_async_copy(
                g_v.at[pl.ds(slot * GR, GR)],
                out_hbm.at[0, pl.ds(0, GR)],
                sem_s[slot],
            ).wait()

        def slots(g):
            return range(g * GSZ, (g + 1) * GSZ)

        for b in slots(0):
            fire_gather(b, b)
        for b in slots(1):
            fire_gather(b, b)
        for b in slots(0):
            wait_gather(b)
            fire_store(b, b)
        for b in slots(0):
            wait_store(b)
            fire_gather(b, NB + b)
        for b in slots(1):
            wait_gather(b)
            fire_store(b, b)

        def round_body(r):
            t0 = r * NB
            for b in slots(1):
                wait_store(b)
                fire_gather(b, t0 + b)
            for b in slots(0):
                wait_gather(b)
                fire_store(b, t0 + b)
            for b in slots(0):
                wait_store(b)
                fire_gather(b, t0 + NB + b)
            for b in slots(1):
                wait_gather(b)
                fire_store(b, t0 + b)

        pl.loop(1, nrounds - 1)(round_body)

        t0 = (nrounds - 1) * NB
        for b in slots(1):
            wait_store(b)
            fire_gather(b, t0 + b)
        for b in slots(0):
            wait_gather(b)
            fire_store(b, t0 + b)
        for b in slots(0):
            wait_store(b)
        for b in slots(1):
            wait_gather(b)
            fire_store(b, t0 + b)
        for b in slots(1):
            wait_store(b)

    return k


@jax.jit
def _kernel_impl(x, embedding, single_eval_pos):
    T, B, _ = x.shape
    num_embs = embedding.shape[0]
    emb128 = lax.pad(embedding, jnp.float32(0), ((0, 0, 0), (0, EMSIZE, 0)))
    out128 = _make_kernel(T, B, num_embs)(x.reshape(T, B), emb128)
    return out128[..., :EMSIZE]


def kernel(x, embedding, single_eval_pos):
    return _kernel_impl(x, embedding, single_eval_pos)

# --- scband reference (transcript-rebuilt; emitter-appended) ---
"""Pipeline reference for scband-categorical-input-encoder-per-feature-encoder-step-14181982012129 (READ-ONLY COPY).

The authoritative reference and input builder live on the scoring server;
editing this copy changes nothing except your own understanding.
"""

import jax, jax.numpy as jnp
import numpy as np

NUM_EMBS = 1000000
EMSIZE = 64
T, B = 200, 4096


def setup_inputs(seed: int = 0) -> dict:
    key = jax.random.key(seed)
    k1, k2 = jax.random.split(key)
    # x holds integer-valued category ids stored as float32, shape [T, B, 1]
    x = jax.random.randint(k1, (T, B, 1), 0, 999998).astype(jnp.float32)
    # learned embedding table sized per init_kwargs (num_embs x emsize)
    embedding = jax.random.normal(k2, (NUM_EMBS, EMSIZE), dtype=jnp.float32)
    single_eval_pos = 100  # unused on the all-categorical path, kept for fidelity
    return {"x": x, "embedding": embedding, "single_eval_pos": single_eval_pos}


def reference(x, embedding, single_eval_pos):
    # Faithful translation of _forward with categorical_inds = [[0]] * B,
    # i.e. is_categorical is all-True so only the categorical embedding path runs.
    num_embs = embedding.shape[0]
    nan_mask = jnp.isnan(x) | jnp.isinf(x)
    lx = jnp.clip(x.astype(jnp.int32), 0, num_embs - 2)
    lx = jnp.where(nan_mask, num_embs - 1, lx)
    idx = lx.squeeze(-1)  # [T, B]
    categorical_embs = jnp.take(embedding, idx, axis=0)  # [T, B, emsize]
    embs = categorical_embs.astype(jnp.float32)
    return embs

if __name__ == "__main__":
    import jax
    _d = setup_inputs()
    print(jax.jit(kernel)(*tuple(_d.values())))

</pallas_src>

<mosaic_0001>
#map = affine_map<(d0, d1) -> (0, 0)>
#map1 = affine_map<(d0, d1) -> (0, 0, 0)>
module attributes {stable_mosaic.version = 14 : i64} {
  func.func @k(%arg0: i32, %arg1: i32, %arg2: memref<200x4096xf32, #tpu.memory_space<hbm>>, %arg3: memref<1000000x128xf32, #tpu.memory_space<hbm>>, %arg4: memref<200x4096x128xf32, #tpu.memory_space<hbm>>, %arg5: memref<200x128xf32, #tpu.memory_space<vmem>>, %arg6: memref<200x128xi32, #tpu.memory_space<vmem>>, %arg7: memref<512x128xf32, #tpu.memory_space<vmem>>, %arg8: memref<!tpu.dma_semaphore, #tpu.memory_space<semaphore_mem>>, %arg9: memref<!tpu.dma_semaphore, #tpu.memory_space<semaphore_mem>>, %arg10: memref<!tpu.dma_semaphore, #tpu.memory_space<semaphore_mem>>, %arg11: memref<!tpu.dma_semaphore, #tpu.memory_space<semaphore_mem>>, %arg12: memref<!tpu.dma_semaphore, #tpu.memory_space<semaphore_mem>>, %arg13: memref<!tpu.dma_semaphore, #tpu.memory_space<semaphore_mem>>, %arg14: memref<!tpu.dma_semaphore, #tpu.memory_space<semaphore_mem>>, %arg15: memref<!tpu.dma_semaphore, #tpu.memory_space<semaphore_mem>>) attributes {dimension_semantics = [#tpu.dimension_semantics<core_parallel>, #tpu.dimension_semantics<subcore_parallel>], iteration_bounds = array<i64: 2, 16>, scalar_prefetch = 0 : i64, scratch_operands = 11 : i64, tpu.core_type = #tpu.core_type<sc_vector_subcore>, window_params = [{transform_indices = #map}, {transform_indices = #map}, {transform_indices = #map1}]} {
    %mul3A = arith.constant 2 : i32
    %mul3A_0 = arith.muli %arg1, %mul3A : i32
    %add3A = arith.addi %mul3A_0, %arg0 : i32
    %mul3A_1 = arith.constant 128 : i32
    %mul3A_2 = arith.muli %add3A, %mul3A_1 : i32
    "tpu.region"() ({
      %run_scoped3A = tpu.sem_alloc : memref<!tpu.dma_semaphore, #tpu.memory_space<semaphore_mem>>
      %dma_start3A_410 = arith.constant 0 : i32
      %dma_start3A_411 = tpu.memref_slice %arg2[%dma_start3A_410, %mul3A_2] : memref<200x4096xf32, #tpu.memory_space<hbm>> -> memref<200x128xf32, #tpu.memory_space<hbm>>
      %dma_start3A_412 = arith.constant 0 : i32
      %dma_start3A_413 = tpu.memref_slice %arg2[%dma_start3A_412, %mul3A_2] : memref<200x4096xf32, #tpu.memory_space<hbm>> -> memref<200x128xf32, #tpu.memory_space<hbm>>
      tpu.enqueue_dma source(%dma_start3A_413 : memref<200x128xf32, #tpu.memory_space<hbm>>) target(%arg5 : memref<200x128xf32, #tpu.memory_space<vmem>>) target_semaphore(%run_scoped3A : memref<!tpu.dma_semaphore, #tpu.memory_space<semaphore_mem>>)
      %dma_wait3A_414 = arith.constant 0 : i32
      %dma_wait3A_415 = tpu.memref_slice %arg2[%dma_wait3A_414, %mul3A_2] : memref<200x4096xf32, #tpu.memory_space<hbm>> -> memref<200x128xf32, #tpu.memory_space<hbm>>
      %dma_wait3A_416 = arith.constant 0 : i32
      %dma_wait3A_417 = tpu.memref_slice %arg2[%dma_wait3A_416, %mul3A_2] : memref<200x4096xf32, #tpu.memory_space<hbm>> -> memref<200x128xf32, #tpu.memory_space<hbm>>
      tpu.wait_dma2 semaphore(%run_scoped3A : memref<!tpu.dma_semaphore, #tpu.memory_space<semaphore_mem>>) src(%dma_wait3A_417 : memref<200x128xf32, #tpu.memory_space<hbm>>) dst(%arg5 : memref<200x128xf32, #tpu.memory_space<vmem>>)
      tpu.yield
    }) : () -> ()
    %scan3A = arith.constant 0 : i32
    %scan3A_3 = arith.constant 200 : i32
    %scan3A_4 = arith.addi %scan3A, %scan3A_3 : i32
    %scan3A_5 = arith.constant 1 : i32
    scf.for %scan3A_410 = %scan3A to %scan3A_4 step %scan3A_5  : i32 {
      %mul3A_411 = arith.constant 1 : i32
      %mul3A_412 = arith.muli %scan3A_410, %mul3A_411 : i32
      %add3A_413 = arith.constant 0 : i32
      %add3A_414 = arith.addi %add3A_413, %mul3A_412 : i32
      %get3A = arith.index_cast %add3A_414 : i32 to index
      %get3A_415 = arith.constant 0 : index
      %get3A_416 = tpu.vector_load %arg5[%get3A, %get3A_415] {strides = array<i32>} : memref<200x128xf32, #tpu.memory_space<vmem>>, vector<1x16xf32>,
      %get3A_417 = vector.shape_cast %get3A_416 : vector<1x16xf32> to vector<16xf32>
      %ne3A = arith.cmpf one, %get3A_417, %get3A_417 : vector<16xf32>
      %abs3A = math.absf %get3A_417 : vector<16xf32>
      %eq3A = arith.constant 0x7F800000 : f32
      %eq3A_418 = vector.broadcast %eq3A : f32 to vector<16xf32>
      %eq3A_419 = arith.cmpf oeq, %abs3A, %eq3A_418 : vector<16xf32>
      %or3A = arith.ori %ne3A, %eq3A_419 : vector<16xi1>
      %jit3A = arith.constant 0.000000e+00 : f32
      %broadcast_in_dim3A = vector.broadcast %jit3A : f32 to vector<16xf32>
      %select_n3A = arith.select %or3A, %broadcast_in_dim3A, %get3A_417 : vector<16xi1>, vector<16xf32>
      %convert_element_type3A = arith.fptosi %select_n3A : vector<16xf32> to vector<16xi32>
      %jit3A_420 = arith.constant 0 : i32
      %jit3A_421 = arith.constant 999998 : i32
      %max3A = vector.broadcast %jit3A_420 : i32 to vector<16xi32>
      %max3A_422 = arith.maxsi %max3A, %convert_element_type3A : vector<16xi32>
      %min3A = vector.broadcast %jit3A_421 : i32 to vector<16xi32>
      %min3A_423 = arith.minsi %min3A, %max3A_422 : vector<16xi32>
      %jit3A_424 = arith.constant 999999 : i32
      %broadcast_in_dim3A_425 = vector.broadcast %jit3A_424 : i32 to vector<16xi32>
      %select_n3A_426 = arith.select %or3A, %broadcast_in_dim3A_425, %min3A_423 : vector<16xi1>, vector<16xi32>
      %swap3A = arith.index_cast %add3A_414 : i32 to index
      %swap3A_427 = arith.constant 0 : index
      %swap3A_428 = tpu.vector_load %arg6[%swap3A, %swap3A_427] {strides = array<i32>} : memref<200x128xi32, #tpu.memory_space<vmem>>, vector<1x16xi32>,
      %swap3A_429 = vector.shape_cast %swap3A_428 : vector<1x16xi32> to vector<16xi32>
      %swap3A_430 = vector.shape_cast %select_n3A_426 : vector<16xi32> to vector<1x16xi32>
      tpu.vector_store %arg6[%swap3A, %swap3A_427], %swap3A_430 {strides = array<i32>} : memref<200x128xi32, #tpu.memory_space<vmem>>, vector<1x16xi32>,
      %get3A_431 = arith.index_cast %add3A_414 : i32 to index
      %get3A_432 = arith.constant 16 : index
      %get3A_433 = tpu.vector_load %arg5[%get3A_431, %get3A_432] {strides = array<i32>} : memref<200x128xf32, #tpu.memory_space<vmem>>, vector<1x16xf32>,
      %get3A_434 = vector.shape_cast %get3A_433 : vector<1x16xf32> to vector<16xf32>
      %ne3A_435 = arith.cmpf one, %get3A_434, %get3A_434 : vector<16xf32>
      %abs3A_436 = math.absf %get3A_434 : vector<16xf32>
      %eq3A_437 = arith.constant 0x7F800000 : f32
      %eq3A_438 = vector.broadcast %eq3A_437 : f32 to vector<16xf32>
      %eq3A_439 = arith.cmpf oeq, %abs3A_436, %eq3A_438 : vector<16xf32>
      %or3A_440 = arith.ori %ne3A_435, %eq3A_439 : vector<16xi1>
      %jit3A_441 = arith.constant 0.000000e+00 : f32
      %broadcast_in_dim3A_442 = vector.broadcast %jit3A_441 : f32 to vector<16xf32>
      %select_n3A_443 = arith.select %or3A_440, %broadcast_in_dim3A_442, %get3A_434 : vector<16xi1>, vector<16xf32>
      %convert_element_type3A_444 = arith.fptosi %select_n3A_443 : vector<16xf32> to vector<16xi32>
      %jit3A_445 = arith.constant 0 : i32
      %jit3A_446 = arith.constant 999998 : i32
      %max3A_447 = vector.broadcast %jit3A_445 : i32 to vector<16xi32>
      %max3A_448 = arith.maxsi %max3A_447, %convert_element_type3A_444 : vector<16xi32>
      %min3A_449 = vector.broadcast %jit3A_446 : i32 to vector<16xi32>
      %min3A_450 = arith.minsi %min3A_449, %max3A_448 : vector<16xi32>
      %jit3A_451 = arith.constant 999999 : i32
      %broadcast_in_dim3A_452 = vector.broadcast %jit3A_451 : i32 to vector<16xi32>
      %select_n3A_453 = arith.select %or3A_440, %broadcast_in_dim3A_452, %min3A_450 : vector<16xi1>, vector<16xi32>
      %swap3A_454 = arith.index_cast %add3A_414 : i32 to index
      %swap3A_455 = arith.constant 16 : index
      %swap3A_456 = tpu.vector_load %arg6[%swap3A_454, %swap3A_455] {strides = array<i32>} : memref<200x128xi32, #tpu.memory_space<vmem>>, vector<1x16xi32>,
      %swap3A_457 = vector.shape_cast %swap3A_456 : vector<1x16xi32> to vector<16xi32>
      %swap3A_458 = vector.shape_cast %select_n3A_453 : vector<16xi32> to vector<1x16xi32>
      tpu.vector_store %arg6[%swap3A_454, %swap3A_455], %swap3A_458 {strides = array<i32>} : memref<200x128xi32, #tpu.memory_space<vmem>>, vector<1x16xi32>,
      %get3A_459 = arith.index_cast %add3A_414 : i32 to index
      %get3A_460 = arith.constant 32 : index
      %get3A_461 = tpu.vector_load %arg5[%get3A_459, %get3A_460] {strides = array<i32>} : memref<200x128xf32, #tpu.memory_space<vmem>>, vector<1x16xf32>,
      %get3A_462 = vector.shape_cast %get3A_461 : vector<1x16xf32> to vector<16xf32>
      %ne3A_463 = arith.cmpf one, %get3A_462, %get3A_462 : vector<16xf32>
      %abs3A_464 = math.absf %get3A_462 : vector<16xf32>
      %eq3A_465 = arith.constant 0x7F800000 : f32
      %eq3A_466 = vector.broadcast %eq3A_465 : f32 to vector<16xf32>
      %eq3A_467 = arith.cmpf oeq, %abs3A_464, %eq3A_466 : vector<16xf32>
      %or3A_468 = arith.ori %ne3A_463, %eq3A_467 : vector<16xi1>
      %jit3A_469 = arith.constant 0.000000e+00 : f32
      %broadcast_in_dim3A_470 = vector.broadcast %jit3A_469 : f32 to vector<16xf32>
      %select_n3A_471 = arith.select %or3A_468, %broadcast_in_dim3A_470, %get3A_462 : vector<16xi1>, vector<16xf32>
      %convert_element_type3A_472 = arith.fptosi %select_n3A_471 : vector<16xf32> to vector<16xi32>
      %jit3A_473 = arith.constant 0 : i32
      %jit3A_474 = arith.constant 999998 : i32
      %max3A_475 = vector.broadcast %jit3A_473 : i32 to vector<16xi32>
      %max3A_476 = arith.maxsi %max3A_475, %convert_element_type3A_472 : vector<16xi32>
      %min3A_477 = vector.broadcast %jit3A_474 : i32 to vector<16xi32>
      %min3A_478 = arith.minsi %min3A_477, %max3A_476 : vector<16xi32>
      %jit3A_479 = arith.constant 999999 : i32
      %broadcast_in_dim3A_480 = vector.broadcast %jit3A_479 : i32 to vector<16xi32>
      %select_n3A_481 = arith.select %or3A_468, %broadcast_in_dim3A_480, %min3A_478 : vector<16xi1>, vector<16xi32>
      %swap3A_482 = arith.index_cast %add3A_414 : i32 to index
      %swap3A_483 = arith.constant 32 : index
      %swap3A_484 = tpu.vector_load %arg6[%swap3A_482, %swap3A_483] {strides = array<i32>} : memref<200x128xi32, #tpu.memory_space<vmem>>, vector<1x16xi32>,
      %swap3A_485 = vector.shape_cast %swap3A_484 : vector<1x16xi32> to vector<16xi32>
      %swap3A_486 = vector.shape_cast %select_n3A_481 : vector<16xi32> to vector<1x16xi32>
      tpu.vector_store %arg6[%swap3A_482, %swap3A_483], %swap3A_486 {strides = array<i32>} : memref<200x128xi32, #tpu.memory_space<vmem>>, vector<1x16xi32>,
      %get3A_487 = arith.index_cast %add3A_414 : i32 to index
      %get3A_488 = arith.constant 48 : index
      %get3A_489 = tpu.vector_load %arg5[%get3A_487, %get3A_488] {strides = array<i32>} : memref<200x128xf32, #tpu.memory_space<vmem>>, vector<1x16xf32>,
      %get3A_490 = vector.shape_cast %get3A_489 : vector<1x16xf32> to vector<16xf32>
      %ne3A_491 = arith.cmpf one, %get3A_490, %get3A_490 : vector<16xf32>
      %abs3A_492 = math.absf %get3A_490 : vector<16xf32>
      %eq3A_493 = arith.constant 0x7F800000 : f32
      %eq3A_494 = vector.broadcast %eq3A_493 : f32 to vector<16xf32>
      %eq3A_495 = arith.cmpf oeq, %abs3A_492, %eq3A_494 : vector<16xf32>
      %or3A_496 = arith.ori %ne3A_491, %eq3A_495 : vector<16xi1>
      %jit3A_497 = arith.constant 0.000000e+00 : f32
      %broadcast_in_dim3A_498 = vector.broadcast %jit3A_497 : f32 to vector<16xf32>
      %select_n3A_499 = arith.select %or3A_496, %broadcast_in_dim3A_498, %get3A_490 : vector<16xi1>, vector<16xf32>
      %convert_element_type3A_500 = arith.fptosi %select_n3A_499 : vector<16xf32> to vector<16xi32>
      %jit3A_501 = arith.constant 0 : i32
      %jit3A_502 = arith.constant 999998 : i32
      %max3A_503 = vector.broadcast %jit3A_501 : i32 to vector<16xi32>
      %max3A_504 = arith.maxsi %max3A_503, %convert_element_type3A_500 : vector<16xi32>
      %min3A_505 = vector.broadcast %jit3A_502 : i32 to vector<16xi32>
      %min3A_506 = arith.minsi %min3A_505, %max3A_504 : vector<16xi32>
      %jit3A_507 = arith.constant 999999 : i32
      %broadcast_in_dim3A_508 = vector.broadcast %jit3A_507 : i32 to vector<16xi32>
      %select_n3A_509 = arith.select %or3A_496, %broadcast_in_dim3A_508, %min3A_506 : vector<16xi1>, vector<16xi32>
      %swap3A_510 = arith.index_cast %add3A_414 : i32 to index
      %swap3A_511 = arith.constant 48 : index
      %swap3A_512 = tpu.vector_load %arg6[%swap3A_510, %swap3A_511] {strides = array<i32>} : memref<200x128xi32, #tpu.memory_space<vmem>>, vector<1x16xi32>,
      %swap3A_513 = vector.shape_cast %swap3A_512 : vector<1x16xi32> to vector<16xi32>
      %swap3A_514 = vector.shape_cast %select_n3A_509 : vector<16xi32> to vector<1x16xi32>
      tpu.vector_store %arg6[%swap3A_510, %swap3A_511], %swap3A_514 {strides = array<i32>} : memref<200x128xi32, #tpu.memory_space<vmem>>, vector<1x16xi32>,
      %get3A_515 = arith.index_cast %add3A_414 : i32 to index
      %get3A_516 = arith.constant 64 : index
      %get3A_517 = tpu.vector_load %arg5[%get3A_515, %get3A_516] {strides = array<i32>} : memref<200x128xf32, #tpu.memory_space<vmem>>, vector<1x16xf32>,
      %get3A_518 = vector.shape_cast %get3A_517 : vector<1x16xf32> to vector<16xf32>
      %ne3A_519 = arith.cmpf one, %get3A_518, %get3A_518 : vector<16xf32>
      %abs3A_520 = math.absf %get3A_518 : vector<16xf32>
      %eq3A_521 = arith.constant 0x7F800000 : f32
      %eq3A_522 = vector.broadcast %eq3A_521 : f32 to vector<16xf32>
      %eq3A_523 = arith.cmpf oeq, %abs3A_520, %eq3A_522 : vector<16xf32>
      %or3A_524 = arith.ori %ne3A_519, %eq3A_523 : vector<16xi1>
      %jit3A_525 = arith.constant 0.000000e+00 : f32
      %broadcast_in_dim3A_526 = vector.broadcast %jit3A_525 : f32 to vector<16xf32>
      %select_n3A_527 = arith.select %or3A_524, %broadcast_in_dim3A_526, %get3A_518 : vector<16xi1>, vector<16xf32>
      %convert_element_type3A_528 = arith.fptosi %select_n3A_527 : vector<16xf32> to vector<16xi32>
      %jit3A_529 = arith.constant 0 : i32
      %jit3A_530 = arith.constant 999998 : i32
      %max3A_531 = vector.broadcast %jit3A_529 : i32 to vector<16xi32>
      %max3A_532 = arith.maxsi %max3A_531, %convert_element_type3A_528 : vector<16xi32>
      %min3A_533 = vector.broadcast %jit3A_530 : i32 to vector<16xi32>
      %min3A_534 = arith.minsi %min3A_533, %max3A_532 : vector<16xi32>
      %jit3A_535 = arith.constant 999999 : i32
      %broadcast_in_dim3A_536 = vector.broadcast %jit3A_535 : i32 to vector<16xi32>
      %select_n3A_537 = arith.select %or3A_524, %broadcast_in_dim3A_536, %min3A_534 : vector<16xi1>, vector<16xi32>
      %swap3A_538 = arith.index_cast %add3A_414 : i32 to index
      %swap3A_539 = arith.constant 64 : index
      %swap3A_540 = tpu.vector_load %arg6[%swap3A_538, %swap3A_539] {strides = array<i32>} : memref<200x128xi32, #tpu.memory_space<vmem>>, vector<1x16xi32>,
      %swap3A_541 = vector.shape_cast %swap3A_540 : vector<1x16xi32> to vector<16xi32>
      %swap3A_542 = vector.shape_cast %select_n3A_537 : vector<16xi32> to vector<1x16xi32>
      tpu.vector_store %arg6[%swap3A_538, %swap3A_539], %swap3A_542 {strides = array<i32>} : memref<200x128xi32, #tpu.memory_space<vmem>>, vector<1x16xi32>,
      %get3A_543 = arith.index_cast %add3A_414 : i32 to index
      %get3A_544 = arith.constant 80 : index
      %get3A_545 = tpu.vector_load %arg5[%get3A_543, %get3A_544] {strides = array<i32>} : memref<200x128xf32, #tpu.memory_space<vmem>>, vector<1x16xf32>,
      %get3A_546 = vector.shape_cast %get3A_545 : vector<1x16xf32> to vector<16xf32>
      %ne3A_547 = arith.cmpf one, %get3A_546, %get3A_546 : vector<16xf32>
      %abs3A_548 = math.absf %get3A_546 : vector<16xf32>
      %eq3A_549 = arith.constant 0x7F800000 : f32
      %eq3A_550 = vector.broadcast %eq3A_549 : f32 to vector<16xf32>
      %eq3A_551 = arith.cmpf oeq, %abs3A_548, %eq3A_550 : vector<16xf32>
      %or3A_552 = arith.ori %ne3A_547, %eq3A_551 : vector<16xi1>
      %jit3A_553 = arith.constant 0.000000e+00 : f32
      %broadcast_in_dim3A_554 = vector.broadcast %jit3A_553 : f32 to vector<16xf32>
      %select_n3A_555 = arith.select %or3A_552, %broadcast_in_dim3A_554, %get3A_546 : vector<16xi1>, vector<16xf32>
      %convert_element_type3A_556 = arith.fptosi %select_n3A_555 : vector<16xf32> to vector<16xi32>
      %jit3A_557 = arith.constant 0 : i32
      %jit3A_558 = arith.constant 999998 : i32
      %max3A_559 = vector.broadcast %jit3A_557 : i32 to vector<16xi32>
      %max3A_560 = arith.maxsi %max3A_559, %convert_element_type3A_556 : vector<16xi32>
      %min3A_561 = vector.broadcast %jit3A_558 : i32 to vector<16xi32>
      %min3A_562 = arith.minsi %min3A_561, %max3A_560 : vector<16xi32>
      %jit3A_563 = arith.constant 999999 : i32
      %broadcast_in_dim3A_564 = vector.broadcast %jit3A_563 : i32 to vector<16xi32>
      %select_n3A_565 = arith.select %or3A_552, %broadcast_in_dim3A_564, %min3A_562 : vector<16xi1>, vector<16xi32>
      %swap3A_566 = arith.index_cast %add3A_414 : i32 to index
      %swap3A_567 = arith.constant 80 : index
      %swap3A_568 = tpu.vector_load %arg6[%swap3A_566, %swap3A_567] {strides = array<i32>} : memref<200x128xi32, #tpu.memory_space<vmem>>, vector<1x16xi32>,
      %swap3A_569 = vector.shape_cast %swap3A_568 : vector<1x16xi32> to vector<16xi32>
      %swap3A_570 = vector.shape_cast %select_n3A_565 : vector<16xi32> to vector<1x16xi32>
      tpu.vector_store %arg6[%swap3A_566, %swap3A_567], %swap3A_570 {strides = array<i32>} : memref<200x128xi32, #tpu.memory_space<vmem>>, vector<1x16xi32>,
      %get3A_571 = arith.index_cast %add3A_414 : i32 to index
      %get3A_572 = arith.constant 96 : index
      %get3A_573 = tpu.vector_load %arg5[%get3A_571, %get3A_572] {strides = array<i32>} : memref<200x128xf32, #tpu.memory_space<vmem>>, vector<1x16xf32>,
      %get3A_574 = vector.shape_cast %get3A_573 : vector<1x16xf32> to vector<16xf32>
      %ne3A_575 = arith.cmpf one, %get3A_574, %get3A_574 : vector<16xf32>
      %abs3A_576 = math.absf %get3A_574 : vector<16xf32>
      %eq3A_577 = arith.constant 0x7F800000 : f32
      %eq3A_578 = vector.broadcast %eq3A_577 : f32 to vector<16xf32>
      %eq3A_579 = arith.cmpf oeq, %abs3A_576, %eq3A_578 : vector<16xf32>
      %or3A_580 = arith.ori %ne3A_575, %eq3A_579 : vector<16xi1>
      %jit3A_581 = arith.constant 0.000000e+00 : f32
      %broadcast_in_dim3A_582 = vector.broadcast %jit3A_581 : f32 to vector<16xf32>
      %select_n3A_583 = arith.select %or3A_580, %broadcast_in_dim3A_582, %get3A_574 : vector<16xi1>, vector<16xf32>
      %convert_element_type3A_584 = arith.fptosi %select_n3A_583 : vector<16xf32> to vector<16xi32>
      %jit3A_585 = arith.constant 0 : i32
      %jit3A_586 = arith.constant 999998 : i32
      %max3A_587 = vector.broadcast %jit3A_585 : i32 to vector<16xi32>
      %max3A_588 = arith.maxsi %max3A_587, %convert_element_type3A_584 : vector<16xi32>
      %min3A_589 = vector.broadcast %jit3A_586 : i32 to vector<16xi32>
      %min3A_590 = arith.minsi %min3A_589, %max3A_588 : vector<16xi32>
      %jit3A_591 = arith.constant 999999 : i32
      %broadcast_in_dim3A_592 = vector.broadcast %jit3A_591 : i32 to vector<16xi32>
      %select_n3A_593 = arith.select %or3A_580, %broadcast_in_dim3A_592, %min3A_590 : vector<16xi1>, vector<16xi32>
      %swap3A_594 = arith.index_cast %add3A_414 : i32 to index
      %swap3A_595 = arith.constant 96 : index
      %swap3A_596 = tpu.vector_load %arg6[%swap3A_594, %swap3A_595] {strides = array<i32>} : memref<200x128xi32, #tpu.memory_space<vmem>>, vector<1x16xi32>,
      %swap3A_597 = vector.shape_cast %swap3A_596 : vector<1x16xi32> to vector<16xi32>
      %swap3A_598 = vector.shape_cast %select_n3A_593 : vector<16xi32> to vector<1x16xi32>
      tpu.vector_store %arg6[%swap3A_594, %swap3A_595], %swap3A_598 {strides = array<i32>} : memref<200x128xi32, #tpu.memory_space<vmem>>, vector<1x16xi32>,
      %get3A_599 = arith.index_cast %add3A_414 : i32 to index
      %get3A_600 = arith.constant 112 : index
      %get3A_601 = tpu.vector_load %arg5[%get3A_599, %get3A_600] {strides = array<i32>} : memref<200x128xf32, #tpu.memory_space<vmem>>, vector<1x16xf32>,
      %get3A_602 = vector.shape_cast %get3A_601 : vector<1x16xf32> to vector<16xf32>
      %ne3A_603 = arith.cmpf one, %get3A_602, %get3A_602 : vector<16xf32>
      %abs3A_604 = math.absf %get3A_602 : vector<16xf32>
      %eq3A_605 = arith.constant 0x7F800000 : f32
      %eq3A_606 = vector.broadcast %eq3A_605 : f32 to vector<16xf32>
      %eq3A_607 = arith.cmpf oeq, %abs3A_604, %eq3A_606 : vector<16xf32>
      %or3A_608 = arith.ori %ne3A_603, %eq3A_607 : vector<16xi1>
      %jit3A_609 = arith.constant 0.000000e+00 : f32
      %broadcast_in_dim3A_610 = vector.broadcast %jit3A_609 : f32 to vector<16xf32>
      %select_n3A_611 = arith.select %or3A_608, %broadcast_in_dim3A_610, %get3A_602 : vector<16xi1>, vector<16xf32>
      %convert_element_type3A_612 = arith.fptosi %select_n3A_611 : vector<16xf32> to vector<16xi32>
      %jit3A_613 = arith.constant 0 : i32
      %jit3A_614 = arith.constant 999998 : i32
      %max3A_615 = vector.broadcast %jit3A_613 : i32 to vector<16xi32>
      %max3A_616 = arith.maxsi %max3A_615, %convert_element_type3A_612 : vector<16xi32>
      %min3A_617 = vector.broadcast %jit3A_614 : i32 to vector<16xi32>
      %min3A_618 = arith.minsi %min3A_617, %max3A_616 : vector<16xi32>
      %jit3A_619 = arith.constant 999999 : i32
      %broadcast_in_dim3A_620 = vector.broadcast %jit3A_619 : i32 to vector<16xi32>
      %select_n3A_621 = arith.select %or3A_608, %broadcast_in_dim3A_620, %min3A_618 : vector<16xi1>, vector<16xi32>
      %swap3A_622 = arith.index_cast %add3A_414 : i32 to index
      %swap3A_623 = arith.constant 112 : index
      %swap3A_624 = tpu.vector_load %arg6[%swap3A_622, %swap3A_623] {strides = array<i32>} : memref<200x128xi32, #tpu.memory_space<vmem>>, vector<1x16xi32>,
      %swap3A_625 = vector.shape_cast %swap3A_624 : vector<1x16xi32> to vector<16xi32>
      %swap3A_626 = vector.shape_cast %select_n3A_621 : vector<16xi32> to vector<1x16xi32>
      tpu.vector_store %arg6[%swap3A_622, %swap3A_623], %swap3A_626 {strides = array<i32>} : memref<200x128xi32, #tpu.memory_space<vmem>>, vector<1x16xi32>,
    }
    %scan3A_6 = arith.constant 200 : i32
    %dma_start3A = arith.constant 0 : i32
    %dma_start3A_7 = arith.constant 0 : i32
    %dma_start3A_8 = arith.constant 0 : i32
    %dma_start3A_9 = tpu.memref_slice %arg7[%dma_start3A_7, %dma_start3A_8] : memref<512x128xf32, #tpu.memory_space<vmem>> -> memref<128x128xf32, #tpu.memory_space<vmem>>
    %dma_start3A_10 = arith.constant 0 : i32
    %dma_start3A_11 = tpu.memref_slice %arg6[%dma_start3A, %dma_start3A_10] : memref<200x128xi32, #tpu.memory_space<vmem>> -> memref<1x128xi32, #tpu.memory_space<vmem>>
    %dma_start3A_12 = tpu.memref_squeeze %dma_start3A_11 : memref<1x128xi32, #tpu.memory_space<vmem>> -> memref<128xi32, #tpu.memory_space<vmem>>
    %dma_start3A_13 = arith.constant 0 : i32
    %dma_start3A_14 = arith.constant 0 : i32
    %dma_start3A_15 = tpu.memref_slice %arg3[%dma_start3A_13, %dma_start3A_14] : memref<1000000x128xf32, #tpu.memory_space<hbm>> -> memref<1000000x128xf32, #tpu.memory_space<hbm>>
    tpu.enqueue_indirect_dma source(%dma_start3A_15 : memref<1000000x128xf32, #tpu.memory_space<hbm>>) target(%dma_start3A_9 : memref<128x128xf32, #tpu.memory_space<vmem>>) offsets(%dma_start3A_12 : memref<128xi32, #tpu.memory_space<vmem>>) semaphore(%arg8 : memref<!tpu.dma_semaphore, #tpu.memory_space<semaphore_mem>>)
    %dma_start3A_16 = arith.constant 1 : i32
    %dma_start3A_17 = arith.constant 128 : i32
    %dma_start3A_18 = arith.constant 0 : i32
    %dma_start3A_19 = tpu.memref_slice %arg7[%dma_start3A_17, %dma_start3A_18] : memref<512x128xf32, #tpu.memory_space<vmem>> -> memref<128x128xf32, #tpu.memory_space<vmem>>
    %dma_start3A_20 = arith.constant 0 : i32
    %dma_start3A_21 = tpu.memref_slice %arg6[%dma_start3A_16, %dma_start3A_20] : memref<200x128xi32, #tpu.memory_space<vmem>> -> memref<1x128xi32, #tpu.memory_space<vmem>>
    %dma_start3A_22 = tpu.memref_squeeze %dma_start3A_21 : memref<1x128xi32, #tpu.memory_space<vmem>> -> memref<128xi32, #tpu.memory_space<vmem>>
    %dma_start3A_23 = arith.constant 0 : i32
    %dma_start3A_24 = arith.constant 0 : i32
    %dma_start3A_25 = tpu.memref_slice %arg3[%dma_start3A_23, %dma_start3A_24] : memref<1000000x128xf32, #tpu.memory_space<hbm>> -> memref<1000000x128xf32, #tpu.memory_space<hbm>>
    tpu.enqueue_indirect_dma source(%dma_start3A_25 : memref<1000000x128xf32, #tpu.memory_space<hbm>>) target(%dma_start3A_19 : memref<128x128xf32, #tpu.memory_space<vmem>>) offsets(%dma_start3A_22 : memref<128xi32, #tpu.memory_space<vmem>>) semaphore(%arg9 : memref<!tpu.dma_semaphore, #tpu.memory_space<semaphore_mem>>)
    %dma_start3A_26 = arith.constant 2 : i32
    %dma_start3A_27 = arith.constant 256 : i32
    %dma_start3A_28 = arith.constant 0 : i32
    %dma_start3A_29 = tpu.memref_slice %arg7[%dma_start3A_27, %dma_start3A_28] : memref<512x128xf32, #tpu.memory_space<vmem>> -> memref<128x128xf32, #tpu.memory_space<vmem>>
    %dma_start3A_30 = arith.constant 0 : i32
    %dma_start3A_31 = tpu.memref_slice %arg6[%dma_start3A_26, %dma_start3A_30] : memref<200x128xi32, #tpu.memory_space<vmem>> -> memref<1x128xi32, #tpu.memory_space<vmem>>
    %dma_start3A_32 = tpu.memref_squeeze %dma_start3A_31 : memref<1x128xi32, #tpu.memory_space<vmem>> -> memref<128xi32, #tpu.memory_space<vmem>>
    %dma_start3A_33 = arith.constant 0 : i32
    %dma_start3A_34 = arith.constant 0 : i32
    %dma_start3A_35 = tpu.memref_slice %arg3[%dma_start3A_33, %dma_start3A_34] : memref<1000000x128xf32, #tpu.memory_space<hbm>> -> memref<1000000x128xf32, #tpu.memory_space<hbm>>
    tpu.enqueue_indirect_dma source(%dma_start3A_35 : memref<1000000x128xf32, #tpu.memory_space<hbm>>) target(%dma_start3A_29 : memref<128x128xf32, #tpu.memory_space<vmem>>) offsets(%dma_start3A_32 : memref<128xi32, #tpu.memory_space<vmem>>) semaphore(%arg10 : memref<!tpu.dma_semaphore, #tpu.memory_space<semaphore_mem>>)
    %dma_start3A_36 = arith.constant 3 : i32
    %dma_start3A_37 = arith.constant 384 : i32
    %dma_start3A_38 = arith.constant 0 : i32
    %dma_start3A_39 = tpu.memref_slice %arg7[%dma_start3A_37, %dma_start3A_38] : memref<512x128xf32, #tpu.memory_space<vmem>> -> memref<128x128xf32, #tpu.memory_space<vmem>>
    %dma_start3A_40 = arith.constant 0 : i32
    %dma_start3A_41 = tpu.memref_slice %arg6[%dma_start3A_36, %dma_start3A_40] : memref<200x128xi32, #tpu.memory_space<vmem>> -> memref<1x128xi32, #tpu.memory_space<vmem>>
    %dma_start3A_42 = tpu.memref_squeeze %dma_start3A_41 : memref<1x128xi32, #tpu.memory_space<vmem>> -> memref<128xi32, #tpu.memory_space<vmem>>
    %dma_start3A_43 = arith.constant 0 : i32
    %dma_start3A_44 = arith.constant 0 : i32
    %dma_start3A_45 = tpu.memref_slice %arg3[%dma_start3A_43, %dma_start3A_44] : memref<1000000x128xf32, #tpu.memory_space<hbm>> -> memref<1000000x128xf32, #tpu.memory_space<hbm>>
    tpu.enqueue_indirect_dma source(%dma_start3A_45 : memref<1000000x128xf32, #tpu.memory_space<hbm>>) target(%dma_start3A_39 : memref<128x128xf32, #tpu.memory_space<vmem>>) offsets(%dma_start3A_42 : memref<128xi32, #tpu.memory_space<vmem>>) semaphore(%arg11 : memref<!tpu.dma_semaphore, #tpu.memory_space<semaphore_mem>>)
    %dma_wait3A = arith.constant 0 : i32
    %dma_wait3A_46 = arith.constant 0 : i32
    %dma_wait3A_47 = tpu.memref_slice %arg7[%dma_wait3A, %dma_wait3A_46] : memref<512x128xf32, #tpu.memory_space<vmem>> -> memref<128x128xf32, #tpu.memory_space<vmem>>
    %dma_wait3A_48 = arith.constant 0 : i32
    %dma_wait3A_49 = arith.constant 0 : i32
    %dma_wait3A_50 = tpu.memref_slice %arg3[%dma_wait3A_48, %dma_wait3A_49] : memref<1000000x128xf32, #tpu.memory_space<hbm>> -> memref<128x128xf32, #tpu.memory_space<hbm>>
    %dma_wait3A_51 = arith.constant 0 : i32
    %dma_wait3A_52 = arith.constant 0 : i32
    %dma_wait3A_53 = tpu.memref_slice %arg7[%dma_wait3A_51, %dma_wait3A_52] : memref<512x128xf32, #tpu.memory_space<vmem>> -> memref<128x128xf32, #tpu.memory_space<vmem>>
    %dma_wait3A_54 = arith.constant 0 : i32
    %dma_wait3A_55 = arith.constant 0 : i32
    %dma_wait3A_56 = tpu.memref_slice %arg3[%dma_wait3A_54, %dma_wait3A_55] : memref<1000000x128xf32, #tpu.memory_space<hbm>> -> memref<128x128xf32, #tpu.memory_space<hbm>>
    tpu.wait_dma2 semaphore(%arg8 : memref<!tpu.dma_semaphore, #tpu.memory_space<semaphore_mem>>) src(%dma_wait3A_56 : memref<128x128xf32, #tpu.memory_space<hbm>>) dst(%dma_wait3A_53 : memref<128x128xf32, #tpu.memory_space<vmem>>)
    %dma_start3A_57 = arith.constant 0 : i32
    %dma_start3A_58 = arith.constant 0 : i32
    %dma_start3A_59 = arith.constant 0 : i32
    %dma_start3A_60 = tpu.memref_slice %arg7[%dma_start3A_58, %dma_start3A_59] : memref<512x128xf32, #tpu.memory_space<vmem>> -> memref<128x128xf32, #tpu.memory_space<vmem>>
    %dma_start3A_61 = arith.constant 0 : i32
    %dma_start3A_62 = tpu.memref_slice %arg4[%dma_start3A_57, %mul3A_2, %dma_start3A_61] : memref<200x4096x128xf32, #tpu.memory_space<hbm>> -> memref<1x128x128xf32, #tpu.memory_space<hbm>>
    %dma_start3A_63 = tpu.memref_squeeze %dma_start3A_62 : memref<1x128x128xf32, #tpu.memory_space<hbm>> -> memref<128x128xf32, #tpu.memory_space<hbm>>
    %dma_start3A_64 = arith.constant 0 : i32
    %dma_start3A_65 = tpu.memref_slice %arg4[%dma_start3A_57, %mul3A_2, %dma_start3A_64] : memref<200x4096x128xf32, #tpu.memory_space<hbm>> -> memref<1x128x128xf32, #tpu.memory_space<hbm>>
    %dma_start3A_66 = tpu.memref_squeeze %dma_start3A_65 : memref<1x128x128xf32, #tpu.memory_space<hbm>> -> memref<128x128xf32, #tpu.memory_space<hbm>>
    %dma_start3A_67 = arith.constant 0 : i32
    %dma_start3A_68 = arith.constant 0 : i32
    %dma_start3A_69 = tpu.memref_slice %arg7[%dma_start3A_67, %dma_start3A_68] : memref<512x128xf32, #tpu.memory_space<vmem>> -> memref<128x128xf32, #tpu.memory_space<vmem>>
    tpu.enqueue_dma source(%dma_start3A_69 : memref<128x128xf32, #tpu.memory_space<vmem>>) target(%dma_start3A_66 : memref<128x128xf32, #tpu.memory_space<hbm>>) target_semaphore(%arg12 : memref<!tpu.dma_semaphore, #tpu.memory_space<semaphore_mem>>)
    %dma_wait3A_70 = arith.constant 128 : i32
    %dma_wait3A_71 = arith.constant 0 : i32
    %dma_wait3A_72 = tpu.memref_slice %arg7[%dma_wait3A_70, %dma_wait3A_71] : memref<512x128xf32, #tpu.memory_space<vmem>> -> memref<128x128xf32, #tpu.memory_space<vmem>>
    %dma_wait3A_73 = arith.constant 0 : i32
    %dma_wait3A_74 = arith.constant 0 : i32
    %dma_wait3A_75 = tpu.memref_slice %arg3[%dma_wait3A_73, %dma_wait3A_74] : memref<1000000x128xf32, #tpu.memory_space<hbm>> -> memref<128x128xf32, #tpu.memory_space<hbm>>
    %dma_wait3A_76 = arith.constant 128 : i32
    %dma_wait3A_77 = arith.constant 0 : i32
    %dma_wait3A_78 = tpu.memref_slice %arg7[%dma_wait3A_76, %dma_wait3A_77] : memref<512x128xf32, #tpu.memory_space<vmem>> -> memref<128x128xf32, #tpu.memory_space<vmem>>
    %dma_wait3A_79 = arith.constant 0 : i32
    %dma_wait3A_80 = arith.constant 0 : i32
    %dma_wait3A_81 = tpu.memref_slice %arg3[%dma_wait3A_79, %dma_wait3A_80] : memref<1000000x128xf32, #tpu.memory_space<hbm>> -> memref<128x128xf32, #tpu.memory_space<hbm>>
    tpu.wait_dma2 semaphore(%arg9 : memref<!tpu.dma_semaphore, #tpu.memory_space<semaphore_mem>>) src(%dma_wait3A_81 : memref<128x128xf32, #tpu.memory_space<hbm>>) dst(%dma_wait3A_78 : memref<128x128xf32, #tpu.memory_space<vmem>>)
    %dma_start3A_82 = arith.constant 1 : i32
    %dma_start3A_83 = arith.constant 128 : i32
    %dma_start3A_84 = arith.constant 0 : i32
    %dma_start3A_85 = tpu.memref_slice %arg7[%dma_start3A_83, %dma_start3A_84] : memref<512x128xf32, #tpu.memory_space<vmem>> -> memref<128x128xf32, #tpu.memory_space<vmem>>
    %dma_start3A_86 = arith.constant 0 : i32
    %dma_start3A_87 = tpu.memref_slice %arg4[%dma_start3A_82, %mul3A_2, %dma_start3A_86] : memref<200x4096x128xf32, #tpu.memory_space<hbm>> -> memref<1x128x128xf32, #tpu.memory_space<hbm>>
    %dma_start3A_88 = tpu.memref_squeeze %dma_start3A_87 : memref<1x128x128xf32, #tpu.memory_space<hbm>> -> memref<128x128xf32, #tpu.memory_space<hbm>>
    %dma_start3A_89 = arith.constant 0 : i32
    %dma_start3A_90 = tpu.memref_slice %arg4[%dma_start3A_82, %mul3A_2, %dma_start3A_89] : memref<200x4096x128xf32, #tpu.memory_space<hbm>> -> memref<1x128x128xf32, #tpu.memory_space<hbm>>
    %dma_start3A_91 = tpu.memref_squeeze %dma_start3A_90 : memref<1x128x128xf32, #tpu.memory_space<hbm>> -> memref<128x128xf32, #tpu.memory_space<hbm>>
    %dma_start3A_92 = arith.constant 128 : i32
    %dma_start3A_93 = arith.constant 0 : i32
    %dma_start3A_94 = tpu.memref_slice %arg7[%dma_start3A_92, %dma_start3A_93] : memref<512x128xf32, #tpu.memory_space<vmem>> -> memref<128x128xf32, #tpu.memory_space<vmem>>
    tpu.enqueue_dma source(%dma_start3A_94 : memref<128x128xf32, #tpu.memory_space<vmem>>) target(%dma_start3A_91 : memref<128x128xf32, #tpu.memory_space<hbm>>) target_semaphore(%arg13 : memref<!tpu.dma_semaphore, #tpu.memory_space<semaphore_mem>>)
    %dma_wait3A_95 = arith.constant 0 : i32
    %dma_wait3A_96 = arith.constant 0 : i32
    %dma_wait3A_97 = arith.constant 0 : i32
    %dma_wait3A_98 = tpu.memref_slice %arg7[%dma_wait3A_96, %dma_wait3A_97] : memref<512x128xf32, #tpu.memory_space<vmem>> -> memref<128x128xf32, #tpu.memory_space<vmem>>
    %dma_wait3A_99 = arith.constant 0 : i32
    %dma_wait3A_100 = arith.constant 0 : i32
    %dma_wait3A_101 = tpu.memref_slice %arg4[%dma_wait3A_95, %dma_wait3A_99, %dma_wait3A_100] : memref<200x4096x128xf32, #tpu.memory_space<hbm>> -> memref<1x128x128xf32, #tpu.memory_space<hbm>>
    %dma_wait3A_102 = tpu.memref_squeeze %dma_wait3A_101 : memref<1x128x128xf32, #tpu.memory_space<hbm>> -> memref<128x128xf32, #tpu.memory_space<hbm>>
    %dma_wait3A_103 = arith.constant 0 : i32
    %dma_wait3A_104 = arith.constant 0 : i32
    %dma_wait3A_105 = tpu.memref_slice %arg4[%dma_wait3A_95, %dma_wait3A_103, %dma_wait3A_104] : memref<200x4096x128xf32, #tpu.memory_space<hbm>> -> memref<1x128x128xf32, #tpu.memory_space<hbm>>
    %dma_wait3A_106 = tpu.memref_squeeze %dma_wait3A_105 : memref<1x128x128xf32, #tpu.memory_space<hbm>> -> memref<128x128xf32, #tpu.memory_space<hbm>>
    %dma_wait3A_107 = arith.constant 0 : i32
    %dma_wait3A_108 = arith.constant 0 : i32
    %dma_wait3A_109 = tpu.memref_slice %arg7[%dma_wait3A_107, %dma_wait3A_108] : memref<512x128xf32, #tpu.memory_space<vmem>> -> memref<128x128xf32, #tpu.memory_space<vmem>>
    tpu.wait_dma2 semaphore(%arg12 : memref<!tpu.dma_semaphore, #tpu.memory_space<semaphore_mem>>) src(%dma_wait3A_109 : memref<128x128xf32, #tpu.memory_space<vmem>>) dst(%dma_wait3A_106 : memref<128x128xf32, #tpu.memory_space<hbm>>)
    %dma_start3A_110 = arith.constant 4 : i32
    %dma_start3A_111 = arith.constant 0 : i32
    %dma_start3A_112 = arith.constant 0 : i32
    %dma_start3A_113 = tpu.memref_slice %arg7[%dma_start3A_111, %dma_start3A_112] : memref<512x128xf32, #tpu.memory_space<vmem>> -> memref<128x128xf32, #tpu.memory_space<vmem>>
    %dma_start3A_114 = arith.constant 0 : i32
    %dma_start3A_115 = tpu.memref_slice %arg6[%dma_start3A_110, %dma_start3A_114] : memref<200x128xi32, #tpu.memory_space<vmem>> -> memref<1x128xi32, #tpu.memory_space<vmem>>
    %dma_start3A_116 = tpu.memref_squeeze %dma_start3A_115 : memref<1x128xi32, #tpu.memory_space<vmem>> -> memref<128xi32, #tpu.memory_space<vmem>>
    %dma_start3A_117 = arith.constant 0 : i32
    %dma_start3A_118 = arith.constant 0 : i32
    %dma_start3A_119 = tpu.memref_slice %arg3[%dma_start3A_117, %dma_start3A_118] : memref<1000000x128xf32, #tpu.memory_space<hbm>> -> memref<1000000x128xf32, #tpu.memory_space<hbm>>
    tpu.enqueue_indirect_dma source(%dma_start3A_119 : memref<1000000x128xf32, #tpu.memory_space<hbm>>) target(%dma_start3A_113 : memref<128x128xf32, #tpu.memory_space<vmem>>) offsets(%dma_start3A_116 : memref<128xi32, #tpu.memory_space<vmem>>) semaphore(%arg8 : memref<!tpu.dma_semaphore, #tpu.memory_space<semaphore_mem>>)
    %dma_wait3A_120 = arith.constant 0 : i32
    %dma_wait3A_121 = arith.constant 128 : i32
    %dma_wait3A_122 = arith.constant 0 : i32
    %dma_wait3A_123 = tpu.memref_slice %arg7[%dma_wait3A_121, %dma_wait3A_122] : memref<512x128xf32, #tpu.memory_space<vmem>> -> memref<128x128xf32, #tpu.memory_space<vmem>>
    %dma_wait3A_124 = arith.constant 0 : i32
    %dma_wait3A_125 = arith.constant 0 : i32
    %dma_wait3A_126 = tpu.memref_slice %arg4[%dma_wait3A_120, %dma_wait3A_124, %dma_wait3A_125] : memref<200x4096x128xf32, #tpu.memory_space<hbm>> -> memref<1x128x128xf32, #tpu.memory_space<hbm>>
    %dma_wait3A_127 = tpu.memref_squeeze %dma_wait3A_126 : memref<1x128x128xf32, #tpu.memory_space<hbm>> -> memref<128x128xf32, #tpu.memory_space<hbm>>
    %dma_wait3A_128 = arith.constant 0 : i32
    %dma_wait3A_129 = arith.constant 0 : i32
    %dma_wait3A_130 = tpu.memref_slice %arg4[%dma_wait3A_120, %dma_wait3A_128, %dma_wait3A_129] : memref<200x4096x128xf32, #tpu.memory_space<hbm>> -> memref<1x128x128xf32, #tpu.memory_space<hbm>>
    %dma_wait3A_131 = tpu.memref_squeeze %dma_wait3A_130 : memref<1x128x128xf32, #tpu.memory_space<hbm>> -> memref<128x128xf32, #tpu.memory_space<hbm>>
    %dma_wait3A_132 = arith.constant 128 : i32
    %dma_wait3A_133 = arith.constant 0 : i32
    %dma_wait3A_134 = tpu.memref_slice %arg7[%dma_wait3A_132, %dma_wait3A_133] : memref<512x128xf32, #tpu.memory_space<vmem>> -> memref<128x128xf32, #tpu.memory_space<vmem>>
    tpu.wait_dma2 semaphore(%arg13 : memref<!tpu.dma_semaphore, #tpu.memory_space<semaphore_mem>>) src(%dma_wait3A_134 : memref<128x128xf32, #tpu.memory_space<vmem>>) dst(%dma_wait3A_131 : memref<128x128xf32, #tpu.memory_space<hbm>>)
    %dma_start3A_135 = arith.constant 5 : i32
    %dma_start3A_136 = arith.constant 128 : i32
    %dma_start3A_137 = arith.constant 0 : i32
    %dma_start3A_138 = tpu.memref_slice %arg7[%dma_start3A_136, %dma_start3A_137] : memref<512x128xf32, #tpu.memory_space<vmem>> -> memref<128x128xf32, #tpu.memory_space<vmem>>
    %dma_start3A_139 = arith.constant 0 : i32
    %dma_start3A_140 = tpu.memref_slice %arg6[%dma_start3A_135, %dma_start3A_139] : memref<200x128xi32, #tpu.memory_space<vmem>> -> memref<1x128xi32, #tpu.memory_space<vmem>>
    %dma_start3A_141 = tpu.memref_squeeze %dma_start3A_140 : memref<1x128xi32, #tpu.memory_space<vmem>> -> memref<128xi32, #tpu.memory_space<vmem>>
    %dma_start3A_142 = arith.constant 0 : i32
    %dma_start3A_143 = arith.constant 0 : i32
    %dma_start3A_144 = tpu.memref_slice %arg3[%dma_start3A_142, %dma_start3A_143] : memref<1000000x128xf32, #tpu.memory_space<hbm>> -> memref<1000000x128xf32, #tpu.memory_space<hbm>>
    tpu.enqueue_indirect_dma source(%dma_start3A_144 : memref<1000000x128xf32, #tpu.memory_space<hbm>>) target(%dma_start3A_138 : memref<128x128xf32, #tpu.memory_space<vmem>>) offsets(%dma_start3A_141 : memref<128xi32, #tpu.memory_space<vmem>>) semaphore(%arg9 : memref<!tpu.dma_semaphore, #tpu.memory_space<semaphore_mem>>)
    %dma_wait3A_145 = arith.constant 256 : i32
    %dma_wait3A_146 = arith.constant 0 : i32
    %dma_wait3A_147 = tpu.memref_slice %arg7[%dma_wait3A_145, %dma_wait3A_146] : memref<512x128xf32, #tpu.memory_space<vmem>> -> memref<128x128xf32, #tpu.memory_space<vmem>>
    %dma_wait3A_148 = arith.constant 0 : i32
    %dma_wait3A_149 = arith.constant 0 : i32
    %dma_wait3A_150 = tpu.memref_slice %arg3[%dma_wait3A_148, %dma_wait3A_149] : memref<1000000x128xf32, #tpu.memory_space<hbm>> -> memref<128x128xf32, #tpu.memory_space<hbm>>
    %dma_wait3A_151 = arith.constant 256 : i32
    %dma_wait3A_152 = arith.constant 0 : i32
    %dma_wait3A_153 = tpu.memref_slice %arg7[%dma_wait3A_151, %dma_wait3A_152] : memref<512x128xf32, #tpu.memory_space<vmem>> -> memref<128x128xf32, #tpu.memory_space<vmem>>
    %dma_wait3A_154 = arith.constant 0 : i32
    %dma_wait3A_155 = arith.constant 0 : i32
    %dma_wait3A_156 = tpu.memref_slice %arg3[%dma_wait3A_154, %dma_wait3A_155] : memref<1000000x128xf32, #tpu.memory_space<hbm>> -> memref<128x128xf32, #tpu.memory_space<hbm>>
    tpu.wait_dma2 semaphore(%arg10 : memref<!tpu.dma_semaphore, #tpu.memory_space<semaphore_mem>>) src(%dma_wait3A_156 : memref<128x128xf32, #tpu.memory_space<hbm>>) dst(%dma_wait3A_153 : memref<128x128xf32, #tpu.memory_space<vmem>>)
    %dma_start3A_157 = arith.constant 2 : i32
    %dma_start3A_158 = arith.constant 256 : i32
    %dma_start3A_159 = arith.constant 0 : i32
    %dma_start3A_160 = tpu.memref_slice %arg7[%dma_start3A_158, %dma_start3A_159] : memref<512x128xf32, #tpu.memory_space<vmem>> -> memref<128x128xf32, #tpu.memory_space<vmem>>
    %dma_start3A_161 = arith.constant 0 : i32
    %dma_start3A_162 = tpu.memref_slice %arg4[%dma_start3A_157, %mul3A_2, %dma_start3A_161] : memref<200x4096x128xf32, #tpu.memory_space<hbm>> -> memref<1x128x128xf32, #tpu.memory_space<hbm>>
    %dma_start3A_163 = tpu.memref_squeeze %dma_start3A_162 : memref<1x128x128xf32, #tpu.memory_space<hbm>> -> memref<128x128xf32, #tpu.memory_space<hbm>>
    %dma_start3A_164 = arith.constant 0 : i32
    %dma_start3A_165 = tpu.memref_slice %arg4[%dma_start3A_157, %mul3A_2, %dma_start3A_164] : memref<200x4096x128xf32, #tpu.memory_space<hbm>> -> memref<1x128x128xf32, #tpu.memory_space<hbm>>
    %dma_start3A_166 = tpu.memref_squeeze %dma_start3A_165 : memref<1x128x128xf32, #tpu.memory_space<hbm>> -> memref<128x128xf32, #tpu.memory_space<hbm>>
    %dma_start3A_167 = arith.constant 256 : i32
    %dma_start3A_168 = arith.constant 0 : i32
    %dma_start3A_169 = tpu.memref_slice %arg7[%dma_start3A_167, %dma_start3A_168] : memref<512x128xf32, #tpu.memory_space<vmem>> -> memref<128x128xf32, #tpu.memory_space<vmem>>
    tpu.enqueue_dma source(%dma_start3A_169 : memref<128x128xf32, #tpu.memory_space<vmem>>) target(%dma_start3A_166 : memref<128x128xf32, #tpu.memory_space<hbm>>) target_semaphore(%arg14 : memref<!tpu.dma_semaphore, #tpu.memory_space<semaphore_mem>>)
    %dma_wait3A_170 = arith.constant 384 : i32
    %dma_wait3A_171 = arith.constant 0 : i32
    %dma_wait3A_172 = tpu.memref_slice %arg7[%dma_wait3A_170, %dma_wait3A_171] : memref<512x128xf32, #tpu.memory_space<vmem>> -> memref<128x128xf32, #tpu.memory_space<vmem>>
    %dma_wait3A_173 = arith.constant 0 : i32
    %dma_wait3A_174 = arith.constant 0 : i32
    %dma_wait3A_175 = tpu.memref_slice %arg3[%dma_wait3A_173, %dma_wait3A_174] : memref<1000000x128xf32, #tpu.memory_space<hbm>> -> memref<128x128xf32, #tpu.memory_space<hbm>>
    %dma_wait3A_176 = arith.constant 384 : i32
    %dma_wait3A_177 = arith.constant 0 : i32
    %dma_wait3A_178 = tpu.memref_slice %arg7[%dma_wait3A_176, %dma_wait3A_177] : memref<512x128xf32, #tpu.memory_space<vmem>> -> memref<128x128xf32, #tpu.memory_space<vmem>>
    %dma_wait3A_179 = arith.constant 0 : i32
    %dma_wait3A_180 = arith.constant 0 : i32
    %dma_wait3A_181 = tpu.memref_slice %arg3[%dma_wait3A_179, %dma_wait3A_180] : memref<1000000x128xf32, #tpu.memory_space<hbm>> -> memref<128x128xf32, #tpu.memory_space<hbm>>
    tpu.wait_dma2 semaphore(%arg11 : memref<!tpu.dma_semaphore, #tpu.memory_space<semaphore_mem>>) src(%dma_wait3A_181 : memref<128x128xf32, #tpu.memory_space<hbm>>) dst(%dma_wait3A_178 : memref<128x128xf32, #tpu.memory_space<vmem>>)
    %dma_start3A_182 = arith.constant 3 : i32
    %dma_start3A_183 = arith.constant 384 : i32
    %dma_start3A_184 = arith.constant 0 : i32
    %dma_start3A_185 = tpu.memref_slice %arg7[%dma_start3A_183, %dma_start3A_184] : memref<512x128xf32, #tpu.memory_space<vmem>> -> memref<128x128xf32, #tpu.memory_space<vmem>>
    %dma_start3A_186 = arith.constant 0 : i32
    %dma_start3A_187 = tpu.memref_slice %arg4[%dma_start3A_182, %mul3A_2, %dma_start3A_186] : memref<200x4096x128xf32, #tpu.memory_space<hbm>> -> memref<1x128x128xf32, #tpu.memory_space<hbm>>
    %dma_start3A_188 = tpu.memref_squeeze %dma_start3A_187 : memref<1x128x128xf32, #tpu.memory_space<hbm>> -> memref<128x128xf32, #tpu.memory_space<hbm>>
    %dma_start3A_189 = arith.constant 0 : i32
    %dma_start3A_190 = tpu.memref_slice %arg4[%dma_start3A_182, %mul3A_2, %dma_start3A_189] : memref<200x4096x128xf32, #tpu.memory_space<hbm>> -> memref<1x128x128xf32, #tpu.memory_space<hbm>>
    %dma_start3A_191 = tpu.memref_squeeze %dma_start3A_190 : memref<1x128x128xf32, #tpu.memory_space<hbm>> -> memref<128x128xf32, #tpu.memory_space<hbm>>
    %dma_start3A_192 = arith.constant 384 : i32
    %dma_start3A_193 = arith.constant 0 : i32
    %dma_start3A_194 = tpu.memref_slice %arg7[%dma_start3A_192, %dma_start3A_193] : memref<512x128xf32, #tpu.memory_space<vmem>> -> memref<128x128xf32, #tpu.memory_space<vmem>>
    tpu.enqueue_dma source(%dma_start3A_194 : memref<128x128xf32, #tpu.memory_space<vmem>>) target(%dma_start3A_191 : memref<128x128xf32, #tpu.memory_space<hbm>>) target_semaphore(%arg15 : memref<!tpu.dma_semaphore, #tpu.memory_space<semaphore_mem>>)
    %scan3A_195 = arith.constant 0 : i32
    %scan3A_196 = arith.constant 48 : i32
    %scan3A_197 = arith.addi %scan3A_195, %scan3A_196 : i32
    %scan3A_198 = arith.constant 1 : i32
    scf.for %scan3A_410 = %scan3A_195 to %scan3A_197 step %scan3A_198  : i32 {
      %mul3A_411 = arith.constant 1 : i32
      %mul3A_412 = arith.muli %scan3A_410, %mul3A_411 : i32
      %add3A_413 = arith.constant 1 : i32
      %add3A_414 = arith.addi %add3A_413, %mul3A_412 : i32
      %mul3A_415 = arith.constant 4 : i32
      %mul3A_416 = arith.muli %add3A_414, %mul3A_415 : i32
      %dma_wait3A_417 = arith.constant 0 : i32
      %dma_wait3A_418 = arith.constant 256 : i32
      %dma_wait3A_419 = arith.constant 0 : i32
      %dma_wait3A_420 = tpu.memref_slice %arg7[%dma_wait3A_418, %dma_wait3A_419] : memref<512x128xf32, #tpu.memory_space<vmem>> -> memref<128x128xf32, #tpu.memory_space<vmem>>
      %dma_wait3A_421 = arith.constant 0 : i32
      %dma_wait3A_422 = arith.constant 0 : i32
      %dma_wait3A_423 = tpu.memref_slice %arg4[%dma_wait3A_417, %dma_wait3A_421, %dma_wait3A_422] : memref<200x4096x128xf32, #tpu.memory_space<hbm>> -> memref<1x128x128xf32, #tpu.memory_space<hbm>>
      %dma_wait3A_424 = tpu.memref_squeeze %dma_wait3A_423 : memref<1x128x128xf32, #tpu.memory_space<hbm>> -> memref<128x128xf32, #tpu.memory_space<hbm>>
      %dma_wait3A_425 = arith.constant 0 : i32
      %dma_wait3A_426 = arith.constant 0 : i32
      %dma_wait3A_427 = tpu.memref_slice %arg4[%dma_wait3A_417, %dma_wait3A_425, %dma_wait3A_426] : memref<200x4096x128xf32, #tpu.memory_space<hbm>> -> memref<1x128x128xf32, #tpu.memory_space<hbm>>
      %dma_wait3A_428 = tpu.memref_squeeze %dma_wait3A_427 : memref<1x128x128xf32, #tpu.memory_space<hbm>> -> memref<128x128xf32, #tpu.memory_space<hbm>>
      %dma_wait3A_429 = arith.constant 256 : i32
      %dma_wait3A_430 = arith.constant 0 : i32
      %dma_wait3A_431 = tpu.memref_slice %arg7[%dma_wait3A_429, %dma_wait3A_430] : memref<512x128xf32, #tpu.memory_space<vmem>> -> memref<128x128xf32, #tpu.memory_space<vmem>>
      tpu.wait_dma2 semaphore(%arg14 : memref<!tpu.dma_semaphore, #tpu.memory_space<semaphore_mem>>) src(%dma_wait3A_431 : memref<128x128xf32, #tpu.memory_space<vmem>>) dst(%dma_wait3A_428 : memref<128x128xf32, #tpu.memory_space<hbm>>)
      %add3A_432 = arith.constant 2 : i32
      %add3A_433 = arith.addi %mul3A_416, %add3A_432 : i32
      %dma_start3A_434 = arith.constant 256 : i32
      %dma_start3A_435 = arith.constant 0 : i32
      %dma_start3A_436 = tpu.memref_slice %arg7[%dma_start3A_434, %dma_start3A_435] : memref<512x128xf32, #tpu.memory_space<vmem>> -> memref<128x128xf32, #tpu.memory_space<vmem>>
      %dma_start3A_437 = arith.constant 0 : i32
      %dma_start3A_438 = tpu.memref_slice %arg6[%add3A_433, %dma_start3A_437] : memref<200x128xi32, #tpu.memory_space<vmem>> -> memref<1x128xi32, #tpu.memory_space<vmem>>
      %dma_start3A_439 = tpu.memref_squeeze %dma_start3A_438 : memref<1x128xi32, #tpu.memory_space<vmem>> -> memref<128xi32, #tpu.memory_space<vmem>>
      %dma_start3A_440 = arith.constant 0 : i32
      %dma_start3A_441 = arith.constant 0 : i32
      %dma_start3A_442 = tpu.memref_slice %arg3[%dma_start3A_440, %dma_start3A_441] : memref<1000000x128xf32, #tpu.memory_space<hbm>> -> memref<1000000x128xf32, #tpu.memory_space<hbm>>
      tpu.enqueue_indirect_dma source(%dma_start3A_442 : memref<1000000x128xf32, #tpu.memory_space<hbm>>) target(%dma_start3A_436 : memref<128x128xf32, #tpu.memory_space<vmem>>) offsets(%dma_start3A_439 : memref<128xi32, #tpu.memory_space<vmem>>) semaphore(%arg10 : memref<!tpu.dma_semaphore, #tpu.memory_space<semaphore_mem>>)
      %dma_wait3A_443 = arith.constant 0 : i32
      %dma_wait3A_444 = arith.constant 384 : i32
      %dma_wait3A_445 = arith.constant 0 : i32
      %dma_wait3A_446 = tpu.memref_slice %arg7[%dma_wait3A_444, %dma_wait3A_445] : memref<512x128xf32, #tpu.memory_space<vmem>> -> memref<128x128xf32, #tpu.memory_space<vmem>>
      %dma_wait3A_447 = arith.constant 0 : i32
      %dma_wait3A_448 = arith.constant 0 : i32
      %dma_wait3A_449 = tpu.memref_slice %arg4[%dma_wait3A_443, %dma_wait3A_447, %dma_wait3A_448] : memref<200x4096x128xf32, #tpu.memory_space<hbm>> -> memref<1x128x128xf32, #tpu.memory_space<hbm>>
      %dma_wait3A_450 = tpu.memref_squeeze %dma_wait3A_449 : memref<1x128x128xf32, #tpu.memory_space<hbm>> -> memref<128x128xf32, #tpu.memory_space<hbm>>
      %dma_wait3A_451 = arith.constant 0 : i32
      %dma_wait3A_452 = arith.constant 0 : i32
      %dma_wait3A_453 = tpu.memref_slice %arg4[%dma_wait3A_443, %dma_wait3A_451, %dma_wait3A_452] : memref<200x4096x128xf32, #tpu.memory_space<hbm>> -> memref<1x128x128xf32, #tpu.memory_space<hbm>>
      %dma_wait3A_454 = tpu.memref_squeeze %dma_wait3A_453 : memref<1x128x128xf32, #tpu.memory_space<hbm>> -> memref<128x128xf32, #tpu.memory_space<hbm>>
      %dma_wait3A_455 = arith.constant 384 : i32
      %dma_wait3A_456 = arith.constant 0 : i32
      %dma_wait3A_457 = tpu.memref_slice %arg7[%dma_wait3A_455, %dma_wait3A_456] : memref<512x128xf32, #tpu.memory_space<vmem>> -> memref<128x128xf32, #tpu.memory_space<vmem>>
      tpu.wait_dma2 semaphore(%arg15 : memref<!tpu.dma_semaphore, #tpu.memory_space<semaphore_mem>>) src(%dma_wait3A_457 : memref<128x128xf32, #tpu.memory_space<vmem>>) dst(%dma_wait3A_454 : memref<128x128xf32, #tpu.memory_space<hbm>>)
      %add3A_458 = arith.constant 3 : i32
      %add3A_459 = arith.addi %mul3A_416, %add3A_458 : i32
      %dma_start3A_460 = arith.constant 384 : i32
      %dma_start3A_461 = arith.constant 0 : i32
      %dma_start3A_462 = tpu.memref_slice %arg7[%dma_start3A_460, %dma_start3A_461] : memref<512x128xf32, #tpu.memory_space<vmem>> -> memref<128x128xf32, #tpu.memory_space<vmem>>
      %dma_start3A_463 = arith.constant 0 : i32
      %dma_start3A_464 = tpu.memref_slice %arg6[%add3A_459, %dma_start3A_463] : memref<200x128xi32, #tpu.memory_space<vmem>> -> memref<1x128xi32, #tpu.memory_space<vmem>>
      %dma_start3A_465 = tpu.memref_squeeze %dma_start3A_464 : memref<1x128xi32, #tpu.memory_space<vmem>> -> memref<128xi32, #tpu.memory_space<vmem>>
      %dma_start3A_466 = arith.constant 0 : i32
      %dma_start3A_467 = arith.constant 0 : i32
      %dma_start3A_468 = tpu.memref_slice %arg3[%dma_start3A_466, %dma_start3A_467] : memref<1000000x128xf32, #tpu.memory_space<hbm>> -> memref<1000000x128xf32, #tpu.memory_space<hbm>>
      tpu.enqueue_indirect_dma source(%dma_start3A_468 : memref<1000000x128xf32, #tpu.memory_space<hbm>>) target(%dma_start3A_462 : memref<128x128xf32, #tpu.memory_space<vmem>>) offsets(%dma_start3A_465 : memref<128xi32, #tpu.memory_space<vmem>>) semaphore(%arg11 : memref<!tpu.dma_semaphore, #tpu.memory_space<semaphore_mem>>)
      %dma_wait3A_469 = arith.constant 0 : i32
      %dma_wait3A_470 = arith.constant 0 : i32
      %dma_wait3A_471 = tpu.memref_slice %arg7[%dma_wait3A_469, %dma_wait3A_470] : memref<512x128xf32, #tpu.memory_space<vmem>> -> memref<128x128xf32, #tpu.memory_space<vmem>>
      %dma_wait3A_472 = arith.constant 0 : i32
      %dma_wait3A_473 = arith.constant 0 : i32
      %dma_wait3A_474 = tpu.memref_slice %arg3[%dma_wait3A_472, %dma_wait3A_473] : memref<1000000x128xf32, #tpu.memory_space<hbm>> -> memref<128x128xf32, #tpu.memory_space<hbm>>
      %dma_wait3A_475 = arith.constant 0 : i32
      %dma_wait3A_476 = arith.constant 0 : i32
      %dma_wait3A_477 = tpu.memref_slice %arg7[%dma_wait3A_475, %dma_wait3A_476] : memref<512x128xf32, #tpu.memory_space<vmem>> -> memref<128x128xf32, #tpu.memory_space<vmem>>
      %dma_wait3A_478 = arith.constant 0 : i32
      %dma_wait3A_479 = arith.constant 0 : i32
      %dma_wait3A_480 = tpu.memref_slice %arg3[%dma_wait3A_478, %dma_wait3A_479] : memref<1000000x128xf32, #tpu.memory_space<hbm>> -> memref<128x128xf32, #tpu.memory_space<hbm>>
      tpu.wait_dma2 semaphore(%arg8 : memref<!tpu.dma_semaphore, #tpu.memory_space<semaphore_mem>>) src(%dma_wait3A_480 : memref<128x128xf32, #tpu.memory_space<hbm>>) dst(%dma_wait3A_477 : memref<128x128xf32, #tpu.memory_space<vmem>>)
      %add3A_481 = arith.constant 0 : i32
      %add3A_482 = arith.addi %mul3A_416, %add3A_481 : i32
      %dma_start3A_483 = arith.constant 0 : i32
      %dma_start3A_484 = arith.constant 0 : i32
      %dma_start3A_485 = tpu.memref_slice %arg7[%dma_start3A_483, %dma_start3A_484] : memref<512x128xf32, #tpu.memory_space<vmem>> -> memref<128x128xf32, #tpu.memory_space<vmem>>
      %dma_start3A_486 = arith.constant 0 : i32
      %dma_start3A_487 = tpu.memref_slice %arg4[%add3A_482, %mul3A_2, %dma_start3A_486] : memref<200x4096x128xf32, #tpu.memory_space<hbm>> -> memref<1x128x128xf32, #tpu.memory_space<hbm>>
      %dma_start3A_488 = tpu.memref_squeeze %dma_start3A_487 : memref<1x128x128xf32, #tpu.memory_space<hbm>> -> memref<128x128xf32, #tpu.memory_space<hbm>>
      %dma_start3A_489 = arith.constant 0 : i32
      %dma_start3A_490 = tpu.memref_slice %arg4[%add3A_482, %mul3A_2, %dma_start3A_489] : memref<200x4096x128xf32, #tpu.memory_space<hbm>> -> memref<1x128x128xf32, #tpu.memory_space<hbm>>
      %dma_start3A_491 = tpu.memref_squeeze %dma_start3A_490 : memref<1x128x128xf32, #tpu.memory_space<hbm>> -> memref<128x128xf32, #tpu.memory_space<hbm>>
      %dma_start3A_492 = arith.constant 0 : i32
      %dma_start3A_493 = arith.constant 0 : i32
      %dma_start3A_494 = tpu.memref_slice %arg7[%dma_start3A_492, %dma_start3A_493] : memref<512x128xf32, #tpu.memory_space<vmem>> -> memref<128x128xf32, #tpu.memory_space<vmem>>
      tpu.enqueue_dma source(%dma_start3A_494 : memref<128x128xf32, #tpu.memory_space<vmem>>) target(%dma_start3A_491 : memref<128x128xf32, #tpu.memory_space<hbm>>) target_semaphore(%arg12 : memref<!tpu.dma_semaphore, #tpu.memory_space<semaphore_mem>>)
      %dma_wait3A_495 = arith.constant 128 : i32
      %dma_wait3A_496 = arith.constant 0 : i32
      %dma_wait3A_497 = tpu.memref_slice %arg7[%dma_wait3A_495, %dma_wait3A_496] : memref<512x128xf32, #tpu.memory_space<vmem>> -> memref<128x128xf32, #tpu.memory_space<vmem>>
      %dma_wait3A_498 = arith.constant 0 : i32
      %dma_wait3A_499 = arith.constant 0 : i32
      %dma_wait3A_500 = tpu.memref_slice %arg3[%dma_wait3A_498, %dma_wait3A_499] : memref<1000000x128xf32, #tpu.memory_space<hbm>> -> memref<128x128xf32, #tpu.memory_space<hbm>>
      %dma_wait3A_501 = arith.constant 128 : i32
      %dma_wait3A_502 = arith.constant 0 : i32
      %dma_wait3A_503 = tpu.memref_slice %arg7[%dma_wait3A_501, %dma_wait3A_502] : memref<512x128xf32, #tpu.memory_space<vmem>> -> memref<128x128xf32, #tpu.memory_space<vmem>>
      %dma_wait3A_504 = arith.constant 0 : i32
      %dma_wait3A_505 = arith.constant 0 : i32
      %dma_wait3A_506 = tpu.memref_slice %arg3[%dma_wait3A_504, %dma_wait3A_505] : memref<1000000x128xf32, #tpu.memory_space<hbm>> -> memref<128x128xf32, #tpu.memory_space<hbm>>
      tpu.wait_dma2 semaphore(%arg9 : memref<!tpu.dma_semaphore, #tpu.memory_space<semaphore_mem>>) src(%dma_wait3A_506 : memref<128x128xf32, #tpu.memory_space<hbm>>) dst(%dma_wait3A_503 : memref<128x128xf32, #tpu.memory_space<vmem>>)
      %add3A_507 = arith.constant 1 : i32
      %add3A_508 = arith.addi %mul3A_416, %add3A_507 : i32
      %dma_start3A_509 = arith.constant 128 : i32
      %dma_start3A_510 = arith.constant 0 : i32
      %dma_start3A_511 = tpu.memref_slice %arg7[%dma_start3A_509, %dma_start3A_510] : memref<512x128xf32, #tpu.memory_space<vmem>> -> memref<128x128xf32, #tpu.memory_space<vmem>>
      %dma_start3A_512 = arith.constant 0 : i32
      %dma_start3A_513 = tpu.memref_slice %arg4[%add3A_508, %mul3A_2, %dma_start3A_512] : memref<200x4096x128xf32, #tpu.memory_space<hbm>> -> memref<1x128x128xf32, #tpu.memory_space<hbm>>
      %dma_start3A_514 = tpu.memref_squeeze %dma_start3A_513 : memref<1x128x128xf32, #tpu.memory_space<hbm>> -> memref<128x128xf32, #tpu.memory_space<hbm>>
      %dma_start3A_515 = arith.constant 0 : i32
      %dma_start3A_516 = tpu.memref_slice %arg4[%add3A_508, %mul3A_2, %dma_start3A_515] : memref<200x4096x128xf32, #tpu.memory_space<hbm>> -> memref<1x128x128xf32, #tpu.memory_space<hbm>>
      %dma_start3A_517 = tpu.memref_squeeze %dma_start3A_516 : memref<1x128x128xf32, #tpu.memory_space<hbm>> -> memref<128x128xf32, #tpu.memory_space<hbm>>
      %dma_start3A_518 = arith.constant 128 : i32
      %dma_start3A_519 = arith.constant 0 : i32
      %dma_start3A_520 = tpu.memref_slice %arg7[%dma_start3A_518, %dma_start3A_519] : memref<512x128xf32, #tpu.memory_space<vmem>> -> memref<128x128xf32, #tpu.memory_space<vmem>>
      tpu.enqueue_dma source(%dma_start3A_520 : memref<128x128xf32, #tpu.memory_space<vmem>>) target(%dma_start3A_517 : memref<128x128xf32, #tpu.memory_space<hbm>>) target_semaphore(%arg13 : memref<!tpu.dma_semaphore, #tpu.memory_space<semaphore_mem>>)
      %dma_wait3A_521 = arith.constant 0 : i32
      %dma_wait3A_522 = arith.constant 0 : i32
      %dma_wait3A_523 = arith.constant 0 : i32
      %dma_wait3A_524 = tpu.memref_slice %arg7[%dma_wait3A_522, %dma_wait3A_523] : memref<512x128xf32, #tpu.memory_space<vmem>> -> memref<128x128xf32, #tpu.memory_space<vmem>>
      %dma_wait3A_525 = arith.constant 0 : i32
      %dma_wait3A_526 = arith.constant 0 : i32
      %dma_wait3A_527 = tpu.memref_slice %arg4[%dma_wait3A_521, %dma_wait3A_525, %dma_wait3A_526] : memref<200x4096x128xf32, #tpu.memory_space<hbm>> -> memref<1x128x128xf32, #tpu.memory_space<hbm>>
      %dma_wait3A_528 = tpu.memref_squeeze %dma_wait3A_527 : memref<1x128x128xf32, #tpu.memory_space<hbm>> -> memref<128x128xf32, #tpu.memory_space<hbm>>
      %dma_wait3A_529 = arith.constant 0 : i32
      %dma_wait3A_530 = arith.constant 0 : i32
      %dma_wait3A_531 = tpu.memref_slice %arg4[%dma_wait3A_521, %dma_wait3A_529, %dma_wait3A_530] : memref<200x4096x128xf32, #tpu.memory_space<hbm>> -> memref<1x128x128xf32, #tpu.memory_space<hbm>>
      %dma_wait3A_532 = tpu.memref_squeeze %dma_wait3A_531 : memref<1x128x128xf32, #tpu.memory_space<hbm>> -> memref<128x128xf32, #tpu.memory_space<hbm>>
      %dma_wait3A_533 = arith.constant 0 : i32
      %dma_wait3A_534 = arith.constant 0 : i32
      %dma_wait3A_535 = tpu.memref_slice %arg7[%dma_wait3A_533, %dma_wait3A_534] : memref<512x128xf32, #tpu.memory_space<vmem>> -> memref<128x128xf32, #tpu.memory_space<vmem>>
      tpu.wait_dma2 semaphore(%arg12 : memref<!tpu.dma_semaphore, #tpu.memory_space<semaphore_mem>>) src(%dma_wait3A_535 : memref<128x128xf32, #tpu.memory_space<vmem>>) dst(%dma_wait3A_532 : memref<128x128xf32, #tpu.memory_space<hbm>>)
      %add3A_536 = arith.constant 4 : i32
      %add3A_537 = arith.addi %mul3A_416, %add3A_536 : i32
      %add3A_538 = arith.constant 0 : i32
      %add3A_539 = arith.addi %add3A_537, %add3A_538 : i32
      %dma_start3A_540 = arith.constant 0 : i32
      %dma_start3A_541 = arith.constant 0 : i32
      %dma_start3A_542 = tpu.memref_slice %arg7[%dma_start3A_540, %dma_start3A_541] : memref<512x128xf32, #tpu.memory_space<vmem>> -> memref<128x128xf32, #tpu.memory_space<vmem>>
      %dma_start3A_543 = arith.constant 0 : i32
      %dma_start3A_544 = tpu.memref_slice %arg6[%add3A_539, %dma_start3A_543] : memref<200x128xi32, #tpu.memory_space<vmem>> -> memref<1x128xi32, #tpu.memory_space<vmem>>
      %dma_start3A_545 = tpu.memref_squeeze %dma_start3A_544 : memref<1x128xi32, #tpu.memory_space<vmem>> -> memref<128xi32, #tpu.memory_space<vmem>>
      %dma_start3A_546 = arith.constant 0 : i32
      %dma_start3A_547 = arith.constant 0 : i32
      %dma_start3A_548 = tpu.memref_slice %arg3[%dma_start3A_546, %dma_start3A_547] : memref<1000000x128xf32, #tpu.memory_space<hbm>> -> memref<1000000x128xf32, #tpu.memory_space<hbm>>
      tpu.enqueue_indirect_dma source(%dma_start3A_548 : memref<1000000x128xf32, #tpu.memory_space<hbm>>) target(%dma_start3A_542 : memref<128x128xf32, #tpu.memory_space<vmem>>) offsets(%dma_start3A_545 : memref<128xi32, #tpu.memory_space<vmem>>) semaphore(%arg8 : memref<!tpu.dma_semaphore, #tpu.memory_space<semaphore_mem>>)
      %dma_wait3A_549 = arith.constant 0 : i32
      %dma_wait3A_550 = arith.constant 128 : i32
      %dma_wait3A_551 = arith.constant 0 : i32
      %dma_wait3A_552 = tpu.memref_slice %arg7[%dma_wait3A_550, %dma_wait3A_551] : memref<512x128xf32, #tpu.memory_space<vmem>> -> memref<128x128xf32, #tpu.memory_space<vmem>>
      %dma_wait3A_553 = arith.constant 0 : i32
      %dma_wait3A_554 = arith.constant 0 : i32
      %dma_wait3A_555 = tpu.memref_slice %arg4[%dma_wait3A_549, %dma_wait3A_553, %dma_wait3A_554] : memref<200x4096x128xf32, #tpu.memory_space<hbm>> -> memref<1x128x128xf32, #tpu.memory_space<hbm>>
      %dma_wait3A_556 = tpu.memref_squeeze %dma_wait3A_555 : memref<1x128x128xf32, #tpu.memory_space<hbm>> -> memref<128x128xf32, #tpu.memory_space<hbm>>
      %dma_wait3A_557 = arith.constant 0 : i32
      %dma_wait3A_558 = arith.constant 0 : i32
      %dma_wait3A_559 = tpu.memref_slice %arg4[%dma_wait3A_549, %dma_wait3A_557, %dma_wait3A_558] : memref<200x4096x128xf32, #tpu.memory_space<hbm>> -> memref<1x128x128xf32, #tpu.memory_space<hbm>>
      %dma_wait3A_560 = tpu.memref_squeeze %dma_wait3A_559 : memref<1x128x128xf32, #tpu.memory_space<hbm>> -> memref<128x128xf32, #tpu.memory_space<hbm>>
      %dma_wait3A_561 = arith.constant 128 : i32
      %dma_wait3A_562 = arith.constant 0 : i32
      %dma_wait3A_563 = tpu.memref_slice %arg7[%dma_wait3A_561, %dma_wait3A_562] : memref<512x128xf32, #tpu.memory_space<vmem>> -> memref<128x128xf32, #tpu.memory_space<vmem>>
      tpu.wait_dma2 semaphore(%arg13 : memref<!tpu.dma_semaphore, #tpu.memory_space<semaphore_mem>>) src(%dma_wait3A_563 : memref<128x128xf32, #tpu.memory_space<vmem>>) dst(%dma_wait3A_560 : memref<128x128xf32, #tpu.memory_space<hbm>>)
      %add3A_564 = arith.constant 4 : i32
      %add3A_565 = arith.addi %mul3A_416, %add3A_564 : i32
      %add3A_566 = arith.constant 1 : i32
      %add3A_567 = arith.addi %add3A_565, %add3A_566 : i32
      %dma_start3A_568 = arith.constant 128 : i32
      %dma_start3A_569 = arith.constant 0 : i32
      %dma_start3A_570 = tpu.memref_slice %arg7[%dma_start3A_568, %dma_start3A_569] : memref<512x128xf32, #tpu.memory_space<vmem>> -> memref<128x128xf32, #tpu.memory_space<vmem>>
      %dma_start3A_571 = arith.constant 0 : i32
      %dma_start3A_572 = tpu.memref_slice %arg6[%add3A_567, %dma_start3A_571] : memref<200x128xi32, #tpu.memory_space<vmem>> -> memref<1x128xi32, #tpu.memory_space<vmem>>
      %dma_start3A_573 = tpu.memref_squeeze %dma_start3A_572 : memref<1x128xi32, #tpu.memory_space<vmem>> -> memref<128xi32, #tpu.memory_space<vmem>>
      %dma_start3A_574 = arith.constant 0 : i32
      %dma_start3A_575 = arith.constant 0 : i32
      %dma_start3A_576 = tpu.memref_slice %arg3[%dma_start3A_574, %dma_start3A_575] : memref<1000000x128xf32, #tpu.memory_space<hbm>> -> memref<1000000x128xf32, #tpu.memory_space<hbm>>
      tpu.enqueue_indirect_dma source(%dma_start3A_576 : memref<1000000x128xf32, #tpu.memory_space<hbm>>) target(%dma_start3A_570 : memref<128x128xf32, #tpu.memory_space<vmem>>) offsets(%dma_start3A_573 : memref<128xi32, #tpu.memory_space<vmem>>) semaphore(%arg9 : memref<!tpu.dma_semaphore, #tpu.memory_space<semaphore_mem>>)
      %dma_wait3A_577 = arith.constant 256 : i32
      %dma_wait3A_578 = arith.constant 0 : i32
      %dma_wait3A_579 = tpu.memref_slice %arg7[%dma_wait3A_577, %dma_wait3A_578] : memref<512x128xf32, #tpu.memory_space<vmem>> -> memref<128x128xf32, #tpu.memory_space<vmem>>
      %dma_wait3A_580 = arith.constant 0 : i32
      %dma_wait3A_581 = arith.constant 0 : i32
      %dma_wait3A_582 = tpu.memref_slice %arg3[%dma_wait3A_580, %dma_wait3A_581] : memref<1000000x128xf32, #tpu.memory_space<hbm>> -> memref<128x128xf32, #tpu.memory_space<hbm>>
      %dma_wait3A_583 = arith.constant 256 : i32
      %dma_wait3A_584 = arith.constant 0 : i32
      %dma_wait3A_585 = tpu.memref_slice %arg7[%dma_wait3A_583, %dma_wait3A_584] : memref<512x128xf32, #tpu.memory_space<vmem>> -> memref<128x128xf32, #tpu.memory_space<vmem>>
      %dma_wait3A_586 = arith.constant 0 : i32
      %dma_wait3A_587 = arith.constant 0 : i32
      %dma_wait3A_588 = tpu.memref_slice %arg3[%dma_wait3A_586, %dma_wait3A_587] : memref<1000000x128xf32, #tpu.memory_space<hbm>> -> memref<128x128xf32, #tpu.memory_space<hbm>>
      tpu.wait_dma2 semaphore(%arg10 : memref<!tpu.dma_semaphore, #tpu.memory_space<semaphore_mem>>) src(%dma_wait3A_588 : memref<128x128xf32, #tpu.memory_space<hbm>>) dst(%dma_wait3A_585 : memref<128x128xf32, #tpu.memory_space<vmem>>)
      %add3A_589 = arith.constant 2 : i32
      %add3A_590 = arith.addi %mul3A_416, %add3A_589 : i32
      %dma_start3A_591 = arith.constant 256 : i32
      %dma_start3A_592 = arith.constant 0 : i32
      %dma_start3A_593 = tpu.memref_slice %arg7[%dma_start3A_591, %dma_start3A_592] : memref<512x128xf32, #tpu.memory_space<vmem>> -> memref<128x128xf32, #tpu.memory_space<vmem>>
      %dma_start3A_594 = arith.constant 0 : i32
      %dma_start3A_595 = tpu.memref_slice %arg4[%add3A_590, %mul3A_2, %dma_start3A_594] : memref<200x4096x128xf32, #tpu.memory_space<hbm>> -> memref<1x128x128xf32, #tpu.memory_space<hbm>>
      %dma_start3A_596 = tpu.memref_squeeze %dma_start3A_595 : memref<1x128x128xf32, #tpu.memory_space<hbm>> -> memref<128x128xf32, #tpu.memory_space<hbm>>
      %dma_start3A_597 = arith.constant 0 : i32
      %dma_start3A_598 = tpu.memref_slice %arg4[%add3A_590, %mul3A_2, %dma_start3A_597] : memref<200x4096x128xf32, #tpu.memory_space<hbm>> -> memref<1x128x128xf32, #tpu.memory_space<hbm>>
      %dma_start3A_599 = tpu.memref_squeeze %dma_start3A_598 : memref<1x128x128xf32, #tpu.memory_space<hbm>> -> memref<128x128xf32, #tpu.memory_space<hbm>>
      %dma_start3A_600 = arith.constant 256 : i32
      %dma_start3A_601 = arith.constant 0 : i32
      %dma_start3A_602 = tpu.memref_slice %arg7[%dma_start3A_600, %dma_start3A_601] : memref<512x128xf32, #tpu.memory_space<vmem>> -> memref<128x128xf32, #tpu.memory_space<vmem>>
      tpu.enqueue_dma source(%dma_start3A_602 : memref<128x128xf32, #tpu.memory_space<vmem>>) target(%dma_start3A_599 : memref<128x128xf32, #tpu.memory_space<hbm>>) target_semaphore(%arg14 : memref<!tpu.dma_semaphore, #tpu.memory_space<semaphore_mem>>)
      %dma_wait3A_603 = arith.constant 384 : i32
      %dma_wait3A_604 = arith.constant 0 : i32
      %dma_wait3A_605 = tpu.memref_slice %arg7[%dma_wait3A_603, %dma_wait3A_604] : memref<512x128xf32, #tpu.memory_space<vmem>> -> memref<128x128xf32, #tpu.memory_space<vmem>>
      %dma_wait3A_606 = arith.constant 0 : i32
      %dma_wait3A_607 = arith.constant 0 : i32
      %dma_wait3A_608 = tpu.memref_slice %arg3[%dma_wait3A_606, %dma_wait3A_607] : memref<1000000x128xf32, #tpu.memory_space<hbm>> -> memref<128x128xf32, #tpu.memory_space<hbm>>
      %dma_wait3A_609 = arith.constant 384 : i32
      %dma_wait3A_610 = arith.constant 0 : i32
      %dma_wait3A_611 = tpu.memref_slice %arg7[%dma_wait3A_609, %dma_wait3A_610] : memref<512x128xf32, #tpu.memory_space<vmem>> -> memref<128x128xf32, #tpu.memory_space<vmem>>
      %dma_wait3A_612 = arith.constant 0 : i32
      %dma_wait3A_613 = arith.constant 0 : i32
      %dma_wait3A_614 = tpu.memref_slice %arg3[%dma_wait3A_612, %dma_wait3A_613] : memref<1000000x128xf32, #tpu.memory_space<hbm>> -> memref<128x128xf32, #tpu.memory_space<hbm>>
      tpu.wait_dma2 semaphore(%arg11 : memref<!tpu.dma_semaphore, #tpu.memory_space<semaphore_mem>>) src(%dma_wait3A_614 : memref<128x128xf32, #tpu.memory_space<hbm>>) dst(%dma_wait3A_611 : memref<128x128xf32, #tpu.memory_space<vmem>>)
      %add3A_615 = arith.constant 3 : i32
      %add3A_616 = arith.addi %mul3A_416, %add3A_615 : i32
      %dma_start3A_617 = arith.constant 384 : i32
      %dma_start3A_618 = arith.constant 0 : i32
      %dma_start3A_619 = tpu.memref_slice %arg7[%dma_start3A_617, %dma_start3A_618] : memref<512x128xf32, #tpu.memory_space<vmem>> -> memref<128x128xf32, #tpu.memory_space<vmem>>
      %dma_start3A_620 = arith.constant 0 : i32
      %dma_start3A_621 = tpu.memref_slice %arg4[%add3A_616, %mul3A_2, %dma_start3A_620] : memref<200x4096x128xf32, #tpu.memory_space<hbm>> -> memref<1x128x128xf32, #tpu.memory_space<hbm>>
      %dma_start3A_622 = tpu.memref_squeeze %dma_start3A_621 : memref<1x128x128xf32, #tpu.memory_space<hbm>> -> memref<128x128xf32, #tpu.memory_space<hbm>>
      %dma_start3A_623 = arith.constant 0 : i32
      %dma_start3A_624 = tpu.memref_slice %arg4[%add3A_616, %mul3A_2, %dma_start3A_623] : memref<200x4096x128xf32, #tpu.memory_space<hbm>> -> memref<1x128x128xf32, #tpu.memory_space<hbm>>
      %dma_start3A_625 = tpu.memref_squeeze %dma_start3A_624 : memref<1x128x128xf32, #tpu.memory_space<hbm>> -> memref<128x128xf32, #tpu.memory_space<hbm>>
      %dma_start3A_626 = arith.constant 384 : i32
      %dma_start3A_627 = arith.constant 0 : i32
      %dma_start3A_628 = tpu.memref_slice %arg7[%dma_start3A_626, %dma_start3A_627] : memref<512x128xf32, #tpu.memory_space<vmem>> -> memref<128x128xf32, #tpu.memory_space<vmem>>
      tpu.enqueue_dma source(%dma_start3A_628 : memref<128x128xf32, #tpu.memory_space<vmem>>) target(%dma_start3A_625 : memref<128x128xf32, #tpu.memory_space<hbm>>) target_semaphore(%arg15 : memref<!tpu.dma_semaphore, #tpu.memory_space<semaphore_mem>>)
    }
    %scan3A_199 = arith.constant 48 : i32
    %dma_wait3A_200 = arith.constant 0 : i32
    %dma_wait3A_201 = arith.constant 256 : i32
    %dma_wait3A_202 = arith.constant 0 : i32
    %dma_wait3A_203 = tpu.memref_slice %arg7[%dma_wait3A_201, %dma_wait3A_202] : memref<512x128xf32, #tpu.memory_space<vmem>> -> memref<128x128xf32, #tpu.memory_space<vmem>>
    %dma_wait3A_204 = arith.constant 0 : i32
    %dma_wait3A_205 = arith.constant 0 : i32
    %dma_wait3A_206 = tpu.memref_slice %arg4[%dma_wait3A_200, %dma_wait3A_204, %dma_wait3A_205] : memref<200x4096x128xf32, #tpu.memory_space<hbm>> -> memref<1x128x128xf32, #tpu.memory_space<hbm>>
    %dma_wait3A_207 = tpu.memref_squeeze %dma_wait3A_206 : memref<1x128x128xf32, #tpu.memory_space<hbm>> -> memref<128x128xf32, #tpu.memory_space<hbm>>
    %dma_wait3A_208 = arith.constant 0 : i32
    %dma_wait3A_209 = arith.constant 0 : i32
    %dma_wait3A_210 = tpu.memref_slice %arg4[%dma_wait3A_200, %dma_wait3A_208, %dma_wait3A_209] : memref<200x4096x128xf32, #tpu.memory_space<hbm>> -> memref<1x128x128xf32, #tpu.memory_space<hbm>>
    %dma_wait3A_211 = tpu.memref_squeeze %dma_wait3A_210 : memref<1x128x128xf32, #tpu.memory_space<hbm>> -> memref<128x128xf32, #tpu.memory_space<hbm>>
    %dma_wait3A_212 = arith.constant 256 : i32
    %dma_wait3A_213 = arith.constant 0 : i32
    %dma_wait3A_214 = tpu.memref_slice %arg7[%dma_wait3A_212, %dma_wait3A_213] : memref<512x128xf32, #tpu.memory_space<vmem>> -> memref<128x128xf32, #tpu.memory_space<vmem>>
    tpu.wait_dma2 semaphore(%arg14 : memref<!tpu.dma_semaphore, #tpu.memory_space<semaphore_mem>>) src(%dma_wait3A_214 : memref<128x128xf32, #tpu.memory_space<vmem>>) dst(%dma_wait3A_211 : memref<128x128xf32, #tpu.memory_space<hbm>>)
    %dma_start3A_215 = arith.constant 198 : i32
    %dma_start3A_216 = arith.constant 256 : i32
    %dma_start3A_217 = arith.constant 0 : i32
    %dma_start3A_218 = tpu.memref_slice %arg7[%dma_start3A_216, %dma_start3A_217] : memref<512x128xf32, #tpu.memory_space<vmem>> -> memref<128x128xf32, #tpu.memory_space<vmem>>
    %dma_start3A_219 = arith.constant 0 : i32
    %dma_start3A_220 = tpu.memref_slice %arg6[%dma_start3A_215, %dma_start3A_219] : memref<200x128xi32, #tpu.memory_space<vmem>> -> memref<1x128xi32, #tpu.memory_space<vmem>>
    %dma_start3A_221 = tpu.memref_squeeze %dma_start3A_220 : memref<1x128xi32, #tpu.memory_space<vmem>> -> memref<128xi32, #tpu.memory_space<vmem>>
    %dma_start3A_222 = arith.constant 0 : i32
    %dma_start3A_223 = arith.constant 0 : i32
    %dma_start3A_224 = tpu.memref_slice %arg3[%dma_start3A_222, %dma_start3A_223] : memref<1000000x128xf32, #tpu.memory_space<hbm>> -> memref<1000000x128xf32, #tpu.memory_space<hbm>>
    tpu.enqueue_indirect_dma source(%dma_start3A_224 : memref<1000000x128xf32, #tpu.memory_space<hbm>>) target(%dma_start3A_218 : memref<128x128xf32, #tpu.memory_space<vmem>>) offsets(%dma_start3A_221 : memref<128xi32, #tpu.memory_space<vmem>>) semaphore(%arg10 : memref<!tpu.dma_semaphore, #tpu.memory_space<semaphore_mem>>)
    %dma_wait3A_225 = arith.constant 0 : i32
    %dma_wait3A_226 = arith.constant 384 : i32
    %dma_wait3A_227 = arith.constant 0 : i32
    %dma_wait3A_228 = tpu.memref_slice %arg7[%dma_wait3A_226, %dma_wait3A_227] : memref<512x128xf32, #tpu.memory_space<vmem>> -> memref<128x128xf32, #tpu.memory_space<vmem>>
    %dma_wait3A_229 = arith.constant 0 : i32
    %dma_wait3A_230 = arith.constant 0 : i32
    %dma_wait3A_231 = tpu.memref_slice %arg4[%dma_wait3A_225, %dma_wait3A_229, %dma_wait3A_230] : memref<200x4096x128xf32, #tpu.memory_space<hbm>> -> memref<1x128x128xf32, #tpu.memory_space<hbm>>
    %dma_wait3A_232 = tpu.memref_squeeze %dma_wait3A_231 : memref<1x128x128xf32, #tpu.memory_space<hbm>> -> memref<128x128xf32, #tpu.memory_space<hbm>>
    %dma_wait3A_233 = arith.constant 0 : i32
    %dma_wait3A_234 = arith.constant 0 : i32
    %dma_wait3A_235 = tpu.memref_slice %arg4[%dma_wait3A_225, %dma_wait3A_233, %dma_wait3A_234] : memref<200x4096x128xf32, #tpu.memory_space<hbm>> -> memref<1x128x128xf32, #tpu.memory_space<hbm>>
    %dma_wait3A_236 = tpu.memref_squeeze %dma_wait3A_235 : memref<1x128x128xf32, #tpu.memory_space<hbm>> -> memref<128x128xf32, #tpu.memory_space<hbm>>
    %dma_wait3A_237 = arith.constant 384 : i32
    %dma_wait3A_238 = arith.constant 0 : i32
    %dma_wait3A_239 = tpu.memref_slice %arg7[%dma_wait3A_237, %dma_wait3A_238] : memref<512x128xf32, #tpu.memory_space<vmem>> -> memref<128x128xf32, #tpu.memory_space<vmem>>
    tpu.wait_dma2 semaphore(%arg15 : memref<!tpu.dma_semaphore, #tpu.memory_space<semaphore_mem>>) src(%dma_wait3A_239 : memref<128x128xf32, #tpu.memory_space<vmem>>) dst(%dma_wait3A_236 : memref<128x128xf32, #tpu.memory_space<hbm>>)
    %dma_start3A_240 = arith.constant 199 : i32
    %dma_start3A_241 = arith.constant 384 : i32
    %dma_start3A_242 = arith.constant 0 : i32
    %dma_start3A_243 = tpu.memref_slice %arg7[%dma_start3A_241, %dma_start3A_242] : memref<512x128xf32, #tpu.memory_space<vmem>> -> memref<128x128xf32, #tpu.memory_space<vmem>>
    %dma_start3A_244 = arith.constant 0 : i32
    %dma_start3A_245 = tpu.memref_slice %arg6[%dma_start3A_240, %dma_start3A_244] : memref<200x128xi32, #tpu.memory_space<vmem>> -> memref<1x128xi32, #tpu.memory_space<vmem>>
    %dma_start3A_246 = tpu.memref_squeeze %dma_start3A_245 : memref<1x128xi32, #tpu.memory_space<vmem>> -> memref<128xi32, #tpu.memory_space<vmem>>
    %dma_start3A_247 = arith.constant 0 : i32
    %dma_start3A_248 = arith.constant 0 : i32
    %dma_start3A_249 = tpu.memref_slice %arg3[%dma_start3A_247, %dma_start3A_248] : memref<1000000x128xf32, #tpu.memory_space<hbm>> -> memref<1000000x128xf32, #tpu.memory_space<hbm>>
    tpu.enqueue_indirect_dma source(%dma_start3A_249 : memref<1000000x128xf32, #tpu.memory_space<hbm>>) target(%dma_start3A_243 : memref<128x128xf32, #tpu.memory_space<vmem>>) offsets(%dma_start3A_246 : memref<128xi32, #tpu.memory_space<vmem>>) semaphore(%arg11 : memref<!tpu.dma_semaphore, #tpu.memory_space<semaphore_mem>>)
    %dma_wait3A_250 = arith.constant 0 : i32
    %dma_wait3A_251 = arith.constant 0 : i32
    %dma_wait3A_252 = tpu.memref_slice %arg7[%dma_wait3A_250, %dma_wait3A_251] : memref<512x128xf32, #tpu.memory_space<vmem>> -> memref<128x128xf32, #tpu.memory_space<vmem>>
    %dma_wait3A_253 = arith.constant 0 : i32
    %dma_wait3A_254 = arith.constant 0 : i32
    %dma_wait3A_255 = tpu.memref_slice %arg3[%dma_wait3A_253, %dma_wait3A_254] : memref<1000000x128xf32, #tpu.memory_space<hbm>> -> memref<128x128xf32, #tpu.memory_space<hbm>>
    %dma_wait3A_256 = arith.constant 0 : i32
    %dma_wait3A_257 = arith.constant 0 : i32
    %dma_wait3A_258 = tpu.memref_slice %arg7[%dma_wait3A_256, %dma_wait3A_257] : memref<512x128xf32, #tpu.memory_space<vmem>> -> memref<128x128xf32, #tpu.memory_space<vmem>>
    %dma_wait3A_259 = arith.constant 0 : i32
    %dma_wait3A_260 = arith.constant 0 : i32
    %dma_wait3A_261 = tpu.memref_slice %arg3[%dma_wait3A_259, %dma_wait3A_260] : memref<1000000x128xf32, #tpu.memory_space<hbm>> -> memref<128x128xf32, #tpu.memory_space<hbm>>
    tpu.wait_dma2 semaphore(%arg8 : memref<!tpu.dma_semaphore, #tpu.memory_space<semaphore_mem>>) src(%dma_wait3A_261 : memref<128x128xf32, #tpu.memory_space<hbm>>) dst(%dma_wait3A_258 : memref<128x128xf32, #tpu.memory_space<vmem>>)
    %dma_start3A_262 = arith.constant 196 : i32
    %dma_start3A_263 = arith.constant 0 : i32
    %dma_start3A_264 = arith.constant 0 : i32
    %dma_start3A_265 = tpu.memref_slice %arg7[%dma_start3A_263, %dma_start3A_264] : memref<512x128xf32, #tpu.memory_space<vmem>> -> memref<128x128xf32, #tpu.memory_space<vmem>>
    %dma_start3A_266 = arith.constant 0 : i32
    %dma_start3A_267 = tpu.memref_slice %arg4[%dma_start3A_262, %mul3A_2, %dma_start3A_266] : memref<200x4096x128xf32, #tpu.memory_space<hbm>> -> memref<1x128x128xf32, #tpu.memory_space<hbm>>
    %dma_start3A_268 = tpu.memref_squeeze %dma_start3A_267 : memref<1x128x128xf32, #tpu.memory_space<hbm>> -> memref<128x128xf32, #tpu.memory_space<hbm>>
    %dma_start3A_269 = arith.constant 0 : i32
    %dma_start3A_270 = tpu.memref_slice %arg4[%dma_start3A_262, %mul3A_2, %dma_start3A_269] : memref<200x4096x128xf32, #tpu.memory_space<hbm>> -> memref<1x128x128xf32, #tpu.memory_space<hbm>>
    %dma_start3A_271 = tpu.memref_squeeze %dma_start3A_270 : memref<1x128x128xf32, #tpu.memory_space<hbm>> -> memref<128x128xf32, #tpu.memory_space<hbm>>
    %dma_start3A_272 = arith.constant 0 : i32
    %dma_start3A_273 = arith.constant 0 : i32
    %dma_start3A_274 = tpu.memref_slice %arg7[%dma_start3A_272, %dma_start3A_273] : memref<512x128xf32, #tpu.memory_space<vmem>> -> memref<128x128xf32, #tpu.memory_space<vmem>>
    tpu.enqueue_dma source(%dma_start3A_274 : memref<128x128xf32, #tpu.memory_space<vmem>>) target(%dma_start3A_271 : memref<128x128xf32, #tpu.memory_space<hbm>>) target_semaphore(%arg12 : memref<!tpu.dma_semaphore, #tpu.memory_space<semaphore_mem>>)
    %dma_wait3A_275 = arith.constant 128 : i32
    %dma_wait3A_276 = arith.constant 0 : i32
    %dma_wait3A_277 = tpu.memref_slice %arg7[%dma_wait3A_275, %dma_wait3A_276] : memref<512x128xf32, #tpu.memory_space<vmem>> -> memref<128x128xf32, #tpu.memory_space<vmem>>
    %dma_wait3A_278 = arith.constant 0 : i32
    %dma_wait3A_279 = arith.constant 0 : i32
    %dma_wait3A_280 = tpu.memref_slice %arg3[%dma_wait3A_278, %dma_wait3A_279] : memref<1000000x128xf32, #tpu.memory_space<hbm>> -> memref<128x128xf32, #tpu.memory_space<hbm>>
    %dma_wait3A_281 = arith.constant 128 : i32
    %dma_wait3A_282 = arith.constant 0 : i32
    %dma_wait3A_283 = tpu.memref_slice %arg7[%dma_wait3A_281, %dma_wait3A_282] : memref<512x128xf32, #tpu.memory_space<vmem>> -> memref<128x128xf32, #tpu.memory_space<vmem>>
    %dma_wait3A_284 = arith.constant 0 : i32
    %dma_wait3A_285 = arith.constant 0 : i32
    %dma_wait3A_286 = tpu.memref_slice %arg3[%dma_wait3A_284, %dma_wait3A_285] : memref<1000000x128xf32, #tpu.memory_space<hbm>> -> memref<128x128xf32, #tpu.memory_space<hbm>>
    tpu.wait_dma2 semaphore(%arg9 : memref<!tpu.dma_semaphore, #tpu.memory_space<semaphore_mem>>) src(%dma_wait3A_286 : memref<128x128xf32, #tpu.memory_space<hbm>>) dst(%dma_wait3A_283 : memref<128x128xf32, #tpu.memory_space<vmem>>)
    %dma_start3A_287 = arith.constant 197 : i32
    %dma_start3A_288 = arith.constant 128 : i32
    %dma_start3A_289 = arith.constant 0 : i32
    %dma_start3A_290 = tpu.memref_slice %arg7[%dma_start3A_288, %dma_start3A_289] : memref<512x128xf32, #tpu.memory_space<vmem>> -> memref<128x128xf32, #tpu.memory_space<vmem>>
    %dma_start3A_291 = arith.constant 0 : i32
    %dma_start3A_292 = tpu.memref_slice %arg4[%dma_start3A_287, %mul3A_2, %dma_start3A_291] : memref<200x4096x128xf32, #tpu.memory_space<hbm>> -> memref<1x128x128xf32, #tpu.memory_space<hbm>>
    %dma_start3A_293 = tpu.memref_squeeze %dma_start3A_292 : memref<1x128x128xf32, #tpu.memory_space<hbm>> -> memref<128x128xf32, #tpu.memory_space<hbm>>
    %dma_start3A_294 = arith.constant 0 : i32
    %dma_start3A_295 = tpu.memref_slice %arg4[%dma_start3A_287, %mul3A_2, %dma_start3A_294] : memref<200x4096x128xf32, #tpu.memory_space<hbm>> -> memref<1x128x128xf32, #tpu.memory_space<hbm>>
    %dma_start3A_296 = tpu.memref_squeeze %dma_start3A_295 : memref<1x128x128xf32, #tpu.memory_space<hbm>> -> memref<128x128xf32, #tpu.memory_space<hbm>>
    %dma_start3A_297 = arith.constant 128 : i32
    %dma_start3A_298 = arith.constant 0 : i32
    %dma_start3A_299 = tpu.memref_slice %arg7[%dma_start3A_297, %dma_start3A_298] : memref<512x128xf32, #tpu.memory_space<vmem>> -> memref<128x128xf32, #tpu.memory_space<vmem>>
    tpu.enqueue_dma source(%dma_start3A_299 : memref<128x128xf32, #tpu.memory_space<vmem>>) target(%dma_start3A_296 : memref<128x128xf32, #tpu.memory_space<hbm>>) target_semaphore(%arg13 : memref<!tpu.dma_semaphore, #tpu.memory_space<semaphore_mem>>)
    %dma_wait3A_300 = arith.constant 0 : i32
    %dma_wait3A_301 = arith.constant 0 : i32
    %dma_wait3A_302 = arith.constant 0 : i32
    %dma_wait3A_303 = tpu.memref_slice %arg7[%dma_wait3A_301, %dma_wait3A_302] : memref<512x128xf32, #tpu.memory_space<vmem>> -> memref<128x128xf32, #tpu.memory_space<vmem>>
    %dma_wait3A_304 = arith.constant 0 : i32
    %dma_wait3A_305 = arith.constant 0 : i32
    %dma_wait3A_306 = tpu.memref_slice %arg4[%dma_wait3A_300, %dma_wait3A_304, %dma_wait3A_305] : memref<200x4096x128xf32, #tpu.memory_space<hbm>> -> memref<1x128x128xf32, #tpu.memory_space<hbm>>
    %dma_wait3A_307 = tpu.memref_squeeze %dma_wait3A_306 : memref<1x128x128xf32, #tpu.memory_space<hbm>> -> memref<128x128xf32, #tpu.memory_space<hbm>>
    %dma_wait3A_308 = arith.constant 0 : i32
    %dma_wait3A_309 = arith.constant 0 : i32
    %dma_wait3A_310 = tpu.memref_slice %arg4[%dma_wait3A_300, %dma_wait3A_308, %dma_wait3A_309] : memref<200x4096x128xf32, #tpu.memory_space<hbm>> -> memref<1x128x128xf32, #tpu.memory_space<hbm>>
    %dma_wait3A_311 = tpu.memref_squeeze %dma_wait3A_310 : memref<1x128x128xf32, #tpu.memory_space<hbm>> -> memref<128x128xf32, #tpu.memory_space<hbm>>
    %dma_wait3A_312 = arith.constant 0 : i32
    %dma_wait3A_313 = arith.constant 0 : i32
    %dma_wait3A_314 = tpu.memref_slice %arg7[%dma_wait3A_312, %dma_wait3A_313] : memref<512x128xf32, #tpu.memory_space<vmem>> -> memref<128x128xf32, #tpu.memory_space<vmem>>
    tpu.wait_dma2 semaphore(%arg12 : memref<!tpu.dma_semaphore, #tpu.memory_space<semaphore_mem>>) src(%dma_wait3A_314 : memref<128x128xf32, #tpu.memory_space<vmem>>) dst(%dma_wait3A_311 : memref<128x128xf32, #tpu.memory_space<hbm>>)
    %dma_wait3A_315 = arith.constant 0 : i32
    %dma_wait3A_316 = arith.constant 128 : i32
    %dma_wait3A_317 = arith.constant 0 : i32
    %dma_wait3A_318 = tpu.memref_slice %arg7[%dma_wait3A_316, %dma_wait3A_317] : memref<512x128xf32, #tpu.memory_space<vmem>> -> memref<128x128xf32, #tpu.memory_space<vmem>>
    %dma_wait3A_319 = arith.constant 0 : i32
    %dma_wait3A_320 = arith.constant 0 : i32
    %dma_wait3A_321 = tpu.memref_slice %arg4[%dma_wait3A_315, %dma_wait3A_319, %dma_wait3A_320] : memref<200x4096x128xf32, #tpu.memory_space<hbm>> -> memref<1x128x128xf32, #tpu.memory_space<hbm>>
    %dma_wait3A_322 = tpu.memref_squeeze %dma_wait3A_321 : memref<1x128x128xf32, #tpu.memory_space<hbm>> -> memref<128x128xf32, #tpu.memory_space<hbm>>
    %dma_wait3A_323 = arith.constant 0 : i32
    %dma_wait3A_324 = arith.constant 0 : i32
    %dma_wait3A_325 = tpu.memref_slice %arg4[%dma_wait3A_315, %dma_wait3A_323, %dma_wait3A_324] : memref<200x4096x128xf32, #tpu.memory_space<hbm>> -> memref<1x128x128xf32, #tpu.memory_space<hbm>>
    %dma_wait3A_326 = tpu.memref_squeeze %dma_wait3A_325 : memref<1x128x128xf32, #tpu.memory_space<hbm>> -> memref<128x128xf32, #tpu.memory_space<hbm>>
    %dma_wait3A_327 = arith.constant 128 : i32
    %dma_wait3A_328 = arith.constant 0 : i32
    %dma_wait3A_329 = tpu.memref_slice %arg7[%dma_wait3A_327, %dma_wait3A_328] : memref<512x128xf32, #tpu.memory_space<vmem>> -> memref<128x128xf32, #tpu.memory_space<vmem>>
    tpu.wait_dma2 semaphore(%arg13 : memref<!tpu.dma_semaphore, #tpu.memory_space<semaphore_mem>>) src(%dma_wait3A_329 : memref<128x128xf32, #tpu.memory_space<vmem>>) dst(%dma_wait3A_326 : memref<128x128xf32, #tpu.memory_space<hbm>>)
    %dma_wait3A_330 = arith.constant 256 : i32
    %dma_wait3A_331 = arith.constant 0 : i32
    %dma_wait3A_332 = tpu.memref_slice %arg7[%dma_wait3A_330, %dma_wait3A_331] : memref<512x128xf32, #tpu.memory_space<vmem>> -> memref<128x128xf32, #tpu.memory_space<vmem>>
    %dma_wait3A_333 = arith.constant 0 : i32
    %dma_wait3A_334 = arith.constant 0 : i32
    %dma_wait3A_335 = tpu.memref_slice %arg3[%dma_wait3A_333, %dma_wait3A_334] : memref<1000000x128xf32, #tpu.memory_space<hbm>> -> memref<128x128xf32, #tpu.memory_space<hbm>>
    %dma_wait3A_336 = arith.constant 256 : i32
    %dma_wait3A_337 = arith.constant 0 : i32
    %dma_wait3A_338 = tpu.memref_slice %arg7[%dma_wait3A_336, %dma_wait3A_337] : memref<512x128xf32, #tpu.memory_space<vmem>> -> memref<128x128xf32, #tpu.memory_space<vmem>>
    %dma_wait3A_339 = arith.constant 0 : i32
    %dma_wait3A_340 = arith.constant 0 : i32
    %dma_wait3A_341 = tpu.memref_slice %arg3[%dma_wait3A_339, %dma_wait3A_340] : memref<1000000x128xf32, #tpu.memory_space<hbm>> -> memref<128x128xf32, #tpu.memory_space<hbm>>
    tpu.wait_dma2 semaphore(%arg10 : memref<!tpu.dma_semaphore, #tpu.memory_space<semaphore_mem>>) src(%dma_wait3A_341 : memref<128x128xf32, #tpu.memory_space<hbm>>) dst(%dma_wait3A_338 : memref<128x128xf32, #tpu.memory_space<vmem>>)
    %dma_start3A_342 = arith.constant 198 : i32
    %dma_start3A_343 = arith.constant 256 : i32
    %dma_start3A_344 = arith.constant 0 : i32
    %dma_start3A_345 = tpu.memref_slice %arg7[%dma_start3A_343, %dma_start3A_344] : memref<512x128xf32, #tpu.memory_space<vmem>> -> memref<128x128xf32, #tpu.memory_space<vmem>>
    %dma_start3A_346 = arith.constant 0 : i32
    %dma_start3A_347 = tpu.memref_slice %arg4[%dma_start3A_342, %mul3A_2, %dma_start3A_346] : memref<200x4096x128xf32, #tpu.memory_space<hbm>> -> memref<1x128x128xf32, #tpu.memory_space<hbm>>
    %dma_start3A_348 = tpu.memref_squeeze %dma_start3A_347 : memref<1x128x128xf32, #tpu.memory_space<hbm>> -> memref<128x128xf32, #tpu.memory_space<hbm>>
    %dma_start3A_349 = arith.constant 0 : i32
    %dma_start3A_350 = tpu.memref_slice %arg4[%dma_start3A_342, %mul3A_2, %dma_start3A_349] : memref<200x4096x128xf32, #tpu.memory_space<hbm>> -> memref<1x128x128xf32, #tpu.memory_space<hbm>>
    %dma_start3A_351 = tpu.memref_squeeze %dma_start3A_350 : memref<1x128x128xf32, #tpu.memory_space<hbm>> -> memref<128x128xf32, #tpu.memory_space<hbm>>
    %dma_start3A_352 = arith.constant 256 : i32
    %dma_start3A_353 = arith.constant 0 : i32
    %dma_start3A_354 = tpu.memref_slice %arg7[%dma_start3A_352, %dma_start3A_353] : memref<512x128xf32, #tpu.memory_space<vmem>> -> memref<128x128xf32, #tpu.memory_space<vmem>>
    tpu.enqueue_dma source(%dma_start3A_354 : memref<128x128xf32, #tpu.memory_space<vmem>>) target(%dma_start3A_351 : memref<128x128xf32, #tpu.memory_space<hbm>>) target_semaphore(%arg14 : memref<!tpu.dma_semaphore, #tpu.memory_space<semaphore_mem>>)
    %dma_wait3A_355 = arith.constant 384 : i32
    %dma_wait3A_356 = arith.constant 0 : i32
    %dma_wait3A_357 = tpu.memref_slice %arg7[%dma_wait3A_355, %dma_wait3A_356] : memref<512x128xf32, #tpu.memory_space<vmem>> -> memref<128x128xf32, #tpu.memory_space<vmem>>
    %dma_wait3A_358 = arith.constant 0 : i32
    %dma_wait3A_359 = arith.constant 0 : i32
    %dma_wait3A_360 = tpu.memref_slice %arg3[%dma_wait3A_358, %dma_wait3A_359] : memref<1000000x128xf32, #tpu.memory_space<hbm>> -> memref<128x128xf32, #tpu.memory_space<hbm>>
    %dma_wait3A_361 = arith.constant 384 : i32
    %dma_wait3A_362 = arith.constant 0 : i32
    %dma_wait3A_363 = tpu.memref_slice %arg7[%dma_wait3A_361, %dma_wait3A_362] : memref<512x128xf32, #tpu.memory_space<vmem>> -> memref<128x128xf32, #tpu.memory_space<vmem>>
    %dma_wait3A_364 = arith.constant 0 : i32
    %dma_wait3A_365 = arith.constant 0 : i32
    %dma_wait3A_366 = tpu.memref_slice %arg3[%dma_wait3A_364, %dma_wait3A_365] : memref<1000000x128xf32, #tpu.memory_space<hbm>> -> memref<128x128xf32, #tpu.memory_space<hbm>>
    tpu.wait_dma2 semaphore(%arg11 : memref<!tpu.dma_semaphore, #tpu.memory_space<semaphore_mem>>) src(%dma_wait3A_366 : memref<128x128xf32, #tpu.memory_space<hbm>>) dst(%dma_wait3A_363 : memref<128x128xf32, #tpu.memory_space<vmem>>)
    %dma_start3A_367 = arith.constant 199 : i32
    %dma_start3A_368 = arith.constant 384 : i32
    %dma_start3A_369 = arith.constant 0 : i32
    %dma_start3A_370 = tpu.memref_slice %arg7[%dma_start3A_368, %dma_start3A_369] : memref<512x128xf32, #tpu.memory_space<vmem>> -> memref<128x128xf32, #tpu.memory_space<vmem>>
    %dma_start3A_371 = arith.constant 0 : i32
    %dma_start3A_372 = tpu.memref_slice %arg4[%dma_start3A_367, %mul3A_2, %dma_start3A_371] : memref<200x4096x128xf32, #tpu.memory_space<hbm>> -> memref<1x128x128xf32, #tpu.memory_space<hbm>>
    %dma_start3A_373 = tpu.memref_squeeze %dma_start3A_372 : memref<1x128x128xf32, #tpu.memory_space<hbm>> -> memref<128x128xf32, #tpu.memory_space<hbm>>
    %dma_start3A_374 = arith.constant 0 : i32
    %dma_start3A_375 = tpu.memref_slice %arg4[%dma_start3A_367, %mul3A_2, %dma_start3A_374] : memref<200x4096x128xf32, #tpu.memory_space<hbm>> -> memref<1x128x128xf32, #tpu.memory_space<hbm>>
    %dma_start3A_376 = tpu.memref_squeeze %dma_start3A_375 : memref<1x128x128xf32, #tpu.memory_space<hbm>> -> memref<128x128xf32, #tpu.memory_space<hbm>>
    %dma_start3A_377 = arith.constant 384 : i32
    %dma_start3A_378 = arith.constant 0 : i32
    %dma_start3A_379 = tpu.memref_slice %arg7[%dma_start3A_377, %dma_start3A_378] : memref<512x128xf32, #tpu.memory_space<vmem>> -> memref<128x128xf32, #tpu.memory_space<vmem>>
    tpu.enqueue_dma source(%dma_start3A_379 : memref<128x128xf32, #tpu.memory_space<vmem>>) target(%dma_start3A_376 : memref<128x128xf32, #tpu.memory_space<hbm>>) target_semaphore(%arg15 : memref<!tpu.dma_semaphore, #tpu.memory_space<semaphore_mem>>)
    %dma_wait3A_380 = arith.constant 0 : i32
    %dma_wait3A_381 = arith.constant 256 : i32
    %dma_wait3A_382 = arith.constant 0 : i32
    %dma_wait3A_383 = tpu.memref_slice %arg7[%dma_wait3A_381, %dma_wait3A_382] : memref<512x128xf32, #tpu.memory_space<vmem>> -> memref<128x128xf32, #tpu.memory_space<vmem>>
    %dma_wait3A_384 = arith.constant 0 : i32
    %dma_wait3A_385 = arith.constant 0 : i32
    %dma_wait3A_386 = tpu.memref_slice %arg4[%dma_wait3A_380, %dma_wait3A_384, %dma_wait3A_385] : memref<200x4096x128xf32, #tpu.memory_space<hbm>> -> memref<1x128x128xf32, #tpu.memory_space<hbm>>
    %dma_wait3A_387 = tpu.memref_squeeze %dma_wait3A_386 : memref<1x128x128xf32, #tpu.memory_space<hbm>> -> memref<128x128xf32, #tpu.memory_space<hbm>>
    %dma_wait3A_388 = arith.constant 0 : i32
    %dma_wait3A_389 = arith.constant 0 : i32
    %dma_wait3A_390 = tpu.memref_slice %arg4[%dma_wait3A_380, %dma_wait3A_388, %dma_wait3A_389] : memref<200x4096x128xf32, #tpu.memory_space<hbm>> -> memref<1x128x128xf32, #tpu.memory_space<hbm>>
    %dma_wait3A_391 = tpu.memref_squeeze %dma_wait3A_390 : memref<1x128x128xf32, #tpu.memory_space<hbm>> -> memref<128x128xf32, #tpu.memory_space<hbm>>
    %dma_wait3A_392 = arith.constant 256 : i32
    %dma_wait3A_393 = arith.constant 0 : i32
    %dma_wait3A_394 = tpu.memref_slice %arg7[%dma_wait3A_392, %dma_wait3A_393] : memref<512x128xf32, #tpu.memory_space<vmem>> -> memref<128x128xf32, #tpu.memory_space<vmem>>
    tpu.wait_dma2 semaphore(%arg14 : memref<!tpu.dma_semaphore, #tpu.memory_space<semaphore_mem>>) src(%dma_wait3A_394 : memref<128x128xf32, #tpu.memory_space<vmem>>) dst(%dma_wait3A_391 : memref<128x128xf32, #tpu.memory_space<hbm>>)
    %dma_wait3A_395 = arith.constant 0 : i32
    %dma_wait3A_396 = arith.constant 384 : i32
    %dma_wait3A_397 = arith.constant 0 : i32
    %dma_wait3A_398 = tpu.memref_slice %arg7[%dma_wait3A_396, %dma_wait3A_397] : memref<512x128xf32, #tpu.memory_space<vmem>> -> memref<128x128xf32, #tpu.memory_space<vmem>>
    %dma_wait3A_399 = arith.constant 0 : i32
    %dma_wait3A_400 = arith.constant 0 : i32
    %dma_wait3A_401 = tpu.memref_slice %arg4[%dma_wait3A_395, %dma_wait3A_399, %dma_wait3A_400] : memref<200x4096x128xf32, #tpu.memory_space<hbm>> -> memref<1x128x128xf32, #tpu.memory_space<hbm>>
    %dma_wait3A_402 = tpu.memref_squeeze %dma_wait3A_401 : memref<1x128x128xf32, #tpu.memory_space<hbm>> -> memref<128x128xf32, #tpu.memory_space<hbm>>
    %dma_wait3A_403 = arith.constant 0 : i32
    %dma_wait3A_404 = arith.constant 0 : i32
    %dma_wait3A_405 = tpu.memref_slice %arg4[%dma_wait3A_395, %dma_wait3A_403, %dma_wait3A_404] : memref<200x4096x128xf32, #tpu.memory_space<hbm>> -> memref<1x128x128xf32, #tpu.memory_space<hbm>>
    %dma_wait3A_406 = tpu.memref_squeeze %dma_wait3A_405 : memref<1x128x128xf32, #tpu.memory_space<hbm>> -> memref<128x128xf32, #tpu.memory_space<hbm>>
    %dma_wait3A_407 = arith.constant 384 : i32
    %dma_wait3A_408 = arith.constant 0 : i32
    %dma_wait3A_409 = tpu.memref_slice %arg7[%dma_wait3A_407, %dma_wait3A_408] : memref<512x128xf32, #tpu.memory_space<vmem>> -> memref<128x128xf32, #tpu.memory_space<vmem>>
    tpu.wait_dma2 semaphore(%arg15 : memref<!tpu.dma_semaphore, #tpu.memory_space<semaphore_mem>>) src(%dma_wait3A_409 : memref<128x128xf32, #tpu.memory_space<vmem>>) dst(%dma_wait3A_406 : memref<128x128xf32, #tpu.memory_space<hbm>>)
    return
  }
}

</mosaic_0001>

<sc_bundles>
// kernel: _kernel_impl.3.cloned.1.call-start
scs
__scs_entry_jumppad:
0x0: {  	(pc) =	sbr.rel $0x88, $3  }
0x1: {  	(tag) =	ssettag $0x0;
	lr =	simm.s32 $0x1  }
0x2: {  	[smem:$0x3F9F] =	sst lr;
	_ =	strace $0xD0000000  }
0x3: {  	_ = 	snop  }
0x4: {  	_ = 	snop  }
0x5: {  	_ = 	snop  }
0x6: {  	_ = 	snop  }
0x7: {  	_ = 	snop  }
__scs_overlays_trampoline_lowered:
0x8: {  	[smem:$0x3FAE] =	sst s0  }
0x9: {  	[smem:$0x3FAF] =	sst s1  }
0xa: {  	[smem:$0x3FB0] =	sst s2  }
0xb: {  	[smem:$0x3FB1] =	sst s3  }
0xc: {  	[smem:$0x3FB2] =	sst s4  }
0xd: {  	[smem:$0x3FB3] =	sst s5  }
0xe: {  	[smem:$0x3FB4] =	sst s6  }
0xf: {  	[smem:$0x3FB5] =	sst s7  }
0x10: {  	[smem:$0x3FB6] =	sst s8  }
0x11: {  	[smem:$0x3FB7] =	sst s9;
	s0 =	simm.s32 @!p0 $0x0  }
0x12: {  	s1 =	sld [smem:$0x3F9D];
	s0 =	simm.s32 @p0 $0x1  }
0x13: {  	[smem:$0x3FB8] =	sst s0;
	s0 =	simm.s32 @!p1 $0x0  }
0x14: {  	s2 =	sld [smem:$0x3F9C];
	s0 =	simm.s32 @p1 $0x1  }
0x15: {  	[smem:$0x3FB9] =	sst s0;
	s0 =	simm.s32 @!p2 $0x0  }
0x16: {  	s3 =	sld [smem:$0x3FDB];
	s0 =	simm.s32 @p2 $0x1  }
0x17: {  	s4 =	simm.s32 $0x1BF5;
	[smem:$0x3FBB] =	sst s0  }
0x18: {  	s0 =	sld [smem:$0x3F9E];
	_ =	swait.ge [sflag:s4], $0x0  }
0x19: {  	s7 =	sld [smem:$0x3F9F]  }
0x1a: {  	s8 =	sadd.s32 $0xFFFFE003, lr  }
0x1b: {  	s9 =	sadd.s32 $0xFFFFFEF7, lr;
	s5 =	simm.s32 $0xFFFFFFFF;
	p2 =	slt.u32 s8, $0xFFFFF086  }
0x1c: {  	p1 =	slt.u32 s9, $0xF7A;
	s5 =	simm.s32 @!p2 $0x0  }
0x1d: {  	s5 =	simm.s32 @p1 $0x1;
	p0 =	seq.s32 s7, s2  }
0x1e: {  	s7 =	smul.u32 @!p0 $0xF7A, s2;
	p2 =	seq.s32 @!p0 s5, $0x0  }
0x1f: {  	s9 =	smul.u32 $0xF7A, s1;
	s8 =	simm.s32 @!p0 $0x1BF5;
	p2 =	por !p2, p0  }
0x20: {  	[sflag:s8] =	ssyncset.s32 @!p0 $0xFFFFF086;
	s6 =	sadd.s32 @!p0 s3, s7;
	s7 =	simm.s32 @!p0 $0x108  }
0x21: {  	s3 =	sadd.s32 s3, s9;
	s6 =	sadd.s32 @!p0 $0x88, s6;
	s7 =	simm.s32 @p2 $0x1082  }
0x22: {  	[simem:s7], [sflag:s8] =	dma.local @!p0 [hbm:s6], $0xF7A  }
0x23: {  	s9 =	sor.u32 $0xD0000000, s2;
	s6 =	simm.s32 $0x108;
	_ =	swait.ge @!p0 [sflag:s8], $0x0  }
0x24: {  	s3 =	sadd.s32 $0x88, s3;
	s6 =	simm.s32 @!p1 $0x1082;
	[sflag:s4] =	ssyncset.s32 $0xFFFFF086  }
0x25: {  	[simem:s6], [sflag:s4] =	dma.local [hbm:s3], $0xF7A  }
0x26: {  	[smem:$0x3F9F] =	sst s1;
	(tag) =	ssettag s2;
	_ =	strace s9  }
0x27: {  	s1 =	sld [smem:$0x3FAF]  }
0x28: {  	s2 =	sld [smem:$0x3FB0]  }
0x29: {  	s4 =	sld [smem:$0x3FB2]  }
0x2a: {  	p0 =	seq.s32 s5, $0x0;
	s5 =	sld [smem:$0x3FB3]  }
0x2b: {  	s6 =	sld [smem:$0x3FB4]  }
0x2c: {  	s7 =	sld [smem:$0x3FB5]  }
0x2d: {  	s3 =	simm.s32 $0x108;
	s8 =	sld [smem:$0x3FB6]  }
0x2e: {  	s3 =	simm.s32 @!p0 $0x1082;
	s9 =	sld [smem:$0x3FB7]  }
0x2f: {  	lr =	sadd.s32 s0, s3;
	s0 =	sld [smem:$0x3FAE]  }
0x30: {  	s3 =	sld [smem:$0x3FB1]  }
0x31: {  	[smem:$0x3FBA] =	sst s10  }
0x32: {  	s10 =	sld [smem:$0x3FB8];
	_ =	sdelay $0x3  }
0x33: {  	p0 =	seq.s32 s10, $0x1;
	s10 =	sld [smem:$0x3FBA];
	_ =	sdelay $0x3  }
0x34: {  	[smem:$0x3FBA] =	sst s10  }
0x35: {  	s10 =	sld [smem:$0x3FB9];
	_ =	sdelay $0x3  }
0x36: {  	p1 =	seq.s32 s10, $0x1;
	s10 =	sld [smem:$0x3FBA];
	_ =	sdelay $0x3  }
0x37: {  	[smem:$0x3FBA] =	sst s10  }
0x38: {  	s10 =	sld [smem:$0x3FBB]  }
0x39: {  	_ = 	snop;
	(pc) =	sbr.ind lr, $3  }
0x3a: {  	_ = 	snop  }
0x3b: {  	_ = 	snop  }
0x3c: {  	p2 =	seq.s32 s10, $0x1;
	s10 =	sld [smem:$0x3FBA]  }
0x3d: {  	_ =	shalt  }
0x3e: {  	_ =	shalt  }
0x3f: {  	_ =	shalt  }
0x40: {  	_ =	shalt  }
0x41: {  	_ =	shalt  }
0x42: {  	_ =	shalt  }
0x43: {  	_ =	shalt  }
0x44: {  	_ =	shalt  }
0x45: {  	_ =	shalt  }
0x46: {  	_ =	shalt  }
0x47: {  	_ =	shalt  }
0x48: {  	_ =	shalt  }
0x49: {  	_ =	shalt  }
0x4a: {  	_ =	shalt  }
0x4b: {  	_ =	shalt  }
0x4c: {  	_ =	shalt  }
0x4d: {  	_ =	shalt  }
0x4e: {  	_ =	shalt  }
0x4f: {  	_ =	shalt  }
0x50: {  	_ =	shalt  }
0x51: {  	_ =	shalt  }
0x52: {  	_ =	shalt  }
0x53: {  	_ =	shalt  }
0x54: {  	_ =	shalt  }
0x55: {  	_ =	shalt  }
0x56: {  	_ =	shalt  }
0x57: {  	_ =	shalt  }
0x58: {  	_ =	shalt  }
0x59: {  	_ =	shalt  }
0x5a: {  	_ =	shalt  }
0x5b: {  	_ =	shalt  }
0x5c: {  	_ =	shalt  }
0x5d: {  	_ =	shalt  }
0x5e: {  	_ =	shalt  }
0x5f: {  	_ =	shalt  }
0x60: {  	_ =	shalt  }
0x61: {  	_ =	shalt  }
0x62: {  	_ =	shalt  }
0x63: {  	_ =	shalt  }
0x64: {  	_ =	shalt  }
0x65: {  	_ =	shalt  }
0x66: {  	_ =	shalt  }
0x67: {  	_ =	shalt  }
0x68: {  	_ =	shalt  }
0x69: {  	_ =	shalt  }
0x6a: {  	_ =	shalt  }
0x6b: {  	_ =	shalt  }
0x6c: {  	_ =	shalt  }
0x6d: {  	_ =	shalt  }
0x6e: {  	_ =	shalt  }
0x6f: {  	_ =	shalt  }
0x70: {  	_ =	shalt  }
0x71: {  	_ =	shalt  }
0x72: {  	_ =	shalt  }
0x73: {  	_ =	shalt  }
0x74: {  	_ =	shalt  }
0x75: {  	_ =	shalt  }
0x76: {  	_ =	shalt  }
0x77: {  	_ =	shalt  }
0x78: {  	_ =	shalt  }
0x79: {  	_ =	shalt  }
0x7a: {  	_ =	shalt  }
0x7b: {  	_ =	shalt  }
0x7c: {  	_ =	shalt  }
0x7d: {  	_ =	shalt  }
0x7e: {  	_ =	shalt  }
0x7f: {  	_ =	shalt  }
0x80: {  	_ =	shalt  }
0x81: {  	_ =	shalt  }
0x82: {  	_ =	shalt  }
0x83: {  	_ =	shalt  }
0x84: {  	_ =	shalt  }
0x85: {  	_ =	shalt  }
0x86: {  	_ =	shalt  }
0x87: {  	_ =	shalt  }
.Lfunc_end0:
.L_simem_size_0:
called_computation.1_lowered:
.L_overlay_start_0:
0x88: {  	s2 =	sld [smem:$0x3FD9]  }
0x89: {  	s3 =	sld [smem:$0x3FFE];
	_ =	sdelay $0x1  }
0x8a: {  	s1 =	srdreg.scid  }
0x8b: {  	s0 =	sand.u32 $0x1, s1  }
0x8c: {  	s17 =	sshll.u32 s0, $0xA;
	s2 =	sadd.s32 s3, s2  }
0x8d: {  	s2 =	sadd.s32 s2, s17  }
0x8e: {  	[smem:$0x3FC6] =	sst s2  }
0x8f: {  	_ = 	snop  }
0x90: {  	s2 =	sld [smem:$0x3FD0];
	(tm) =	ssettm $0x1  }
0x91: {  	s18 =	sld [smem:$0x3FFB];
	_ =	sdelay $0x3  }
0x92: {  	_ =	strace s18  }
0x93: {  	s3 =	sld [smem:$0x3FFC];
	_ =	sdelay $0x3  }
0x94: {  	_ =	strace s3  }
0x95: {  	s3 =	sld [smem:$0x3FFD];
	_ =	sdelay $0x3  }
0x96: {  	_ =	strace s3  }
0x97: {  	_ =	strace $0x8FFFFFFF  }
0x98: {  	s19 =	sld [smem:$0x3FDB];
	_ =	sdelay $0x1  }
0x99: {  	s4 =	simm.s32 $_scs_section_size  }
0x9a: {  	s5 =	simm.s32 $_size__tile_overlayer_lowered;
	s6 =	simm.s32 $_tile_overlayer_lowered  }
0x9b: {  	s22 =	simm.s32 $0x1BFF;
	s21 =	sshll.u32 s6, $0x1;
	s3 =	sadd.s32 s4, s19  }
0x9c: {  	s7 =	simm.s32 $0x0;
	s20 =	sshll.u32 s5, $0x1;
	s5 =	sadd.s32 s21, s3  }
0x9d: {  	[timem:s7], [sflag:s22] =	dma.local [hbm:s5], s20  }
0x9e: {  	_ =	swait.ge [sflag:s22], s20  }
0x9f: {  	s4 =	ssub.s32 $0x0, s20;
	[sflag:s22] =	ssyncset.done $0x0  }
0xa0: {  	[sflag:s22] =	ssyncadd.s32 s4;
	_ =	sdelay $0x1  }
0xa1: {  	s23 =	simm.s32 $0x1B8B  }
0xa2: {  	_ =	swait.ge [sflag:s23], $0x1  }
0xa3: {  	[sflag:s23] =	ssyncset.done $0x0  }
0xa4: {  	s25 =	simm.s32 $0x1B8E;
	s24 =	sld [smem:$0x3FFE];
	[sflag:s23] =	ssyncadd.s32 $0xFFFFFFFF  }
0xa5: {  	s26 =	simm.s32 $execute0_lowered;
	[smem:$0x3FD2] =	sst s25  }
0xa6: {  	s5 =	sshll.u32 s26, $0x1;
	_ =	strace $0x80000046;
	[dreg:$0x1] =	wrdreg $0xFFFFFFFF  }
0xa7: {  	s28 =	simm.s32 $_size_execute0_lowered;
	s3 =	sadd.s32 s3, s5;
	[dreg:$0x0] =	wrdreg $0x0  }
0xa8: {  	s5 =	sshll.u32 s28, $0x1;
	[dreg:$0x2] =	wrdreg s3  }
0xa9: {  	[dreg:$0x3] =	wrdreg s5  }
0xaa: {  	[dreg:$0x4] =	wrdreg $0xC0  }
0xab: {  	_ =	task [dreg:s7], $0x5FFFF  }
0xac: {  	[dreg:$0x1] =	wrdreg $0xFFFFFFFF  }
0xad: {  	[dreg:$0x0] =	wrdreg $0x60  }
0xae: {  	[dreg:$0x2] =	wrdreg s2  }
0xaf: {  	[dreg:$0x3] =	wrdreg s24  }
0xb0: {  	[dreg:$0x4] =	wrdreg $0x9  }
0xb1: {  	_ =	task.clear_ibuf [dreg:s7], $0x5FFFF;
	_ =	strace $0x90000046  }
0xb2: {  	s29 =	simm.s32 $0x9;
	_ =	strace $0x80000048  }
0xb3: {  	_ =	swait.ge [sflag:s29], $0x1  }
0xb4: {  	[sflag:s29] =	ssyncadd.s32 $0xFFFFFFFF  }
0xb5: {  	_ =	strace $0x90000048  }
0xb6: {  	_ =	sfence  }
0xb7: {  	s30 =	sld [smem:$0x0];
	_ =	sdelay $0x2  }
0xb8: {  	s31 =	sshll.u32 s1, $0xD;
	s1 =	sshrl.u32 s1, $0x2  }
0xb9: {  	s3 =	sand.u32 $0x4000, s31;
	s1 =	sadd.s32 s1, s30  }
0xba: {  	s0 =	sor.u32 s3, s0;
	s1 =	sshll.u32 s1, $0x11  }
0xbb: {  	s0 =	sor.u32 s1, s0  }
0xbc: {  	s0 =	sadd.s32 $0x8F2B, s0  }
0xbd: {  	[sflag:s0] =	ssyncadd.remote.s32 $0x1  }
0xbe: {  	_ =	sfence.sel $0xFFFF  }
0xbf: {  	[dreg:$0x0] =	wrdreg $0xFFFFFFFF;
	(pc) =	sbr.abs _section_cstart, $3  }
0xc0: {  	[dreg:$0x1] =	wrdreg $0xFFFFFFFF  }
0xc1: {  	_ =	task.clear_ibuf [dreg:s7], $0x2FFFF;
	_ =	strace $0x9FFFFFFF  }
0xc2: {  	(tm) =	ssettm $0x7FFFFFFF  }
0xc3: {  	_ =	shalt  }
tec
execute0_lowered:
.L_overlay_start_1:
0x0: {  	(tag) =	ssettag $0x1  }
0x1: {  	s0 =	rddreg [dreg:$0x0]  }
0x2: {  	s2 =	rddreg [dreg:$0x1]  }
0x3: {  	s1 =	simm.s32 $0x0;
	s4 =	srdreg.scid;
	s10 =	stileid.u32  }
0x4: {  	s29 =	simm.s32 $0x14800;
	s31 =	simm.s32 $0x18800;
	s28 =	simm.s32 $0x3  }
0x5: {  	s30 =	simm.s32 $0x4;
	[smem:$0x7FF] =	sst s1;
	s6 =	sand.u32 $0x1, s4  }
0x6: {  	s3 =	sadd.s32 $0xF42E00, s2;
	s7 =	sshll.u32 s10, $0x8;
	s5 =	ssub.s32 $0x2, s6  }
0x7: {  	s4 =	sadd.s32 $0xA00, s2;
	s8 =	sshll.u32 s6, $0x7;
	s9 =	sshrl.u32 s5, $0x1  }
0x8: {  	s18 =	sshll.u32 s10, $0xF;
	s7 =	sor.u32 s8, s7;
	s11 =	ssub.s32 s5, s9  }
0x9: {  	s12 =	sshll.u32 s7, $0x4;
	s5 =	sadd.s32 $0x10A00, s2;
	s0 =	sadd.s32 s0, s7  }
0xa: {  	_ =	strace $0x80000047;
	[dreg:$0x3] =	wrdreg s0;
	s13 =	sadd.s32 s12, s5  }
0xb: {  	s7 =	sadd.s32 s4, s12;
	s22 =	smax.u32 s11, $0x1;
	[dreg:$0x4] =	wrdreg s13  }
0xc: {  	s19 =	sshll.u32 s6, $0xE;
	s14 =	sadd.s32 $0x20000, s7;
	[dreg:$0xb] =	wrdreg s22  }
0xd: {  	s6 =	simm.s32 $0x0;
	s15 =	sadd.s32 $0x30000, s7;
	[dreg:$0x5] =	wrdreg s14  }
0xe: {  	s2 =	simm.s32 $0x2;
	s16 =	sadd.s32 $0xC40000, s7;
	[dreg:$0x6] =	wrdreg s15  }
0xf: {  	s0 =	sor.u32 s19, s18;
	s17 =	sadd.s32 $0xC50000, s7;
	[dreg:$0x7] =	wrdreg s16  }
0x10: {  	s19 =	simm.s32 $0x5;
	s20 =	sadd.s32 $0xC60000, s7;
	[dreg:$0x8] =	wrdreg s17  }
0x11: {  	s21 =	sadd.s32 $0xC70000, s7;
	s23 =	sor.u32 $0x380000, s0;
	[dreg:$0x9] =	wrdreg s20  }
0x12: {  	s24 =	sor.u32 $0x300000, s0;
	s22 =	simm.s32 $0x80;
	[dreg:$0xa] =	wrdreg s21  }
0x13: {  	s16 =	sor.u32 $0x200000, s0;
	s25 =	sshrl.u32 s23, $0x3;
	s26 =	sshrl.u32 s24, $0x3  }
0x14: {  	s21 =	simm.s32 $0x9;
	s24 =	simm.s32 $0xC800;
	s0 =	simm.s32 $0x1  }
0x15: {  	s23 =	simm.s32 $0x6;
	s20 =	simm.s32 $0x7;
	s12 =	sadd.s32 s25, s4  }
0x16: {  	s18 =	sadd.s32 s26, s4;
	s26 =	simm.s32 $0x10800;
	s25 =	simm.s32 $0x8  }
.LBB2_1:
0x17: {  	s8 =	rddreg [dreg:$0x3];
	s9 =	simm.s32 $0x400;
	s10 =	simm.s32 $0x8000  }
0x18: {  	[tilespmem:s1], [sflag:$0x9] =	stream.strided.gather [hbm4b:s8+s9], $0x6400, s10, s9, $0x38;
	[tilespmem:$0x1C800] =	vst v63  }
0x19: {  	_ =	swait.ge [sflag:s21], $0x6400  }
0x1a: {  	[sflag:s21] =	ssyncset.done $0x0  }
0x1b: {  	s8 =	simm.s32 $0x0;
	[sflag:s21] =	ssyncadd.s32 $0xFFFF9C00  }
0x1c: {  	v0 =	vld [tilespmem:s8+$0x70]  }
0x1d: {  	v1 =	vld [tilespmem:s8+$0x0]  }
0x1e: {  	v2 =	vld [tilespmem:s8+$0x10]  }
0x1f: {  	v3 =	vld [tilespmem:s8+$0x20]  }
0x20: {  	v4 =	vld [tilespmem:s8+$0x30]  }
0x21: {  	v5 =	vld [tilespmem:s8+$0x40]  }
0x22: {  	v6 =	vld [tilespmem:s8+$0x50]  }
0x23: {  	v7 =	vld [tilespmem:s8+$0x60];
	_ =	sdelay $0x2  }
0x24: {  	vm0 =	vclass.f32 v0, $0x102;
	vm2 =	vclass.f32 v1, $0x102  }
0x25: {  	vm3 =	vclass.f32 v2, $0x102;
	vm4 =	vclass.f32 v3, $0x102;
	vm6 =	vclass.f32 v4, $0x102  }
0x26: {  	vm5 =	vclass.f32 v5, $0x102;
	vm7 =	vclass.f32 v6, $0x102;
	vm8 =	vclass.f32 v7, $0x102  }
0x27: {  	v0 =	vsel vm0, $0x0, v0;
	v1 =	vsel vm2, $0x0, v1;
	v2 =	vsel vm3, $0x0, v2  }
0x28: {  	v3 =	vsel vm4, $0x0, v3;
	v4 =	vsel vm6, $0x0, v4;
	v0 =	vtrunc.f32 v0  }
0x29: {  	v5 =	vsel vm5, $0x0, v5;
	v1 =	vtrunc.f32 v1;
	v2 =	vtrunc.f32 v2  }
0x2a: {  	v6 =	vsel vm7, $0x0, v6;
	v3 =	vtrunc.f32 v3;
	v4 =	vtrunc.f32 v4  }
0x2b: {  	v7 =	vsel vm8, $0x0, v7;
	v5 =	vtrunc.f32 v5;
	v0 =	vcvt.f32.s32 v0  }
0x2c: {  	v6 =	vtrunc.f32 v6;
	v7 =	vtrunc.f32 v7  }
0x2d: {  	v9 =	vcvt.f32.s32 v1;
	v1 =	vcvt.f32.s32 v3;
	vm1 =	vgt.s32 v0, $0x0  }
0x2e: {  	v3 =	vcvt.f32.s32 v4;
	v4 =	vcvt.f32.s32 v6;
	v0 =	vnsel vm1, $0x0, v0  }
0x2f: {  	vm11 =	vgt.s32 v9, $0x0;
	vm9 =	vgt.s32 v1, $0x0;
	v0 =	vmin.u32 v0, $0xF423E  }
0x30: {  	vm10 =	vgt.s32 v3, $0x0;
	v8 =	vsel vm0, $0xF423F, v0;
	v0 =	vcvt.f32.s32 v2  }
0x31: {  	vm1 =	vmmov vm7;
	v2 =	vcvt.f32.s32 v5;
	v5 =	vcvt.f32.s32 v7  }
0x32: {  	v6 =	vnsel vm11, $0x0, v9;
	vm11 =	vgt.s32 v4, $0x0;
	vm0 =	vmmov vm8  }
0x33: {  	s9 =	simm.s32 $0x80;
	s10 =	simm.s32 $0x400;
	[tilespmem:s8+$0x6470] =	vst v8;
	vm7 =	vgt.s32 v0, $0x0;
	vm8 =	vgt.s32 v2, $0x0;
	vm12 =	vgt.s32 v5, $0x0  }
.LBB2_2:
0x34: {  	p0 =	sne.s32 s10, $0x18E00;
	v7 =	vld [tilespmem:s9+$0x70];
	v0 =	vnsel vm7, $0x0, v0;
	v1 =	vnsel vm9, $0x0, v1;
	v3 =	vnsel vm10, $0x0, v3  }
0x35: {  	v2 =	vnsel vm8, $0x0, v2;
	v4 =	vnsel vm11, $0x0, v4;
	v5 =	vnsel vm12, $0x0, v5;
	v8 =	vld [tilespmem:s9+$0x0]  }
0x36: {  	v6 =	vmin.u32 v6, $0xF423E;
	v0 =	vmin.u32 v0, $0xF423E;
	v1 =	vmin.u32 v1, $0xF423E;
	v9 =	vld [tilespmem:s9+$0x10]  }
0x37: {  	v3 =	vmin.u32 v3, $0xF423E;
	v2 =	vmin.u32 v2, $0xF423E;
	v4 =	vmin.u32 v4, $0xF423E;
	v10 =	vld [tilespmem:s9+$0x20]  }
0x38: {  	v6 =	vsel vm2, $0xF423F, v6;
	v5 =	vmin.u32 v5, $0xF423E;
	v0 =	vsel vm3, $0xF423F, v0;
	v11 =	vld [tilespmem:s9+$0x30]  }
0x39: {  	v1 =	vsel vm4, $0xF423F, v1;
	v3 =	vsel vm6, $0xF423F, v3;
	v12 =	vld [tilespmem:s9+$0x40];
	vm7 =	vclass.f32 v7, $0x102;
	[tilespmem:s8+$0x6400] =	vst v6  }
0x3a: {  	vm2 =	vclass.f32 v8, $0x102;
	v6 =	vld [tilespmem:s9+$0x50];
	v7 =	vsel vm7, $0x0, v7;
	[tilespmem:s8+$0x6410] =	vst v0;
	v0 =	vsel vm5, $0xF423F, v2  }
0x3b: {  	v2 =	vsel vm2, $0x0, v8;
	vm3 =	vclass.f32 v9, $0x102;
	v8 =	vld [tilespmem:s9+$0x60];
	v7 =	vtrunc.f32 v7;
	[tilespmem:s8+$0x6420] =	vst v1  }
0x3c: {  	v1 =	vsel vm3, $0x0, v9;
	vm4 =	vclass.f32 v10, $0x102;
	v7 =	vcvt.f32.s32 v7;
	[tilespmem:s8+$0x6430] =	vst v3  }
0x3d: {  	v2 =	vtrunc.f32 v2;
	v3 =	vsel vm4, $0x0, v10;
	vm6 =	vclass.f32 v11, $0x102;
	[tilespmem:s8+$0x6440] =	vst v0  }
0x3e: {  	v0 =	vsel vm6, $0x0, v11;
	vm5 =	vclass.f32 v12, $0x102;
	vm8 =	vgt.s32 v7, $0x0  }
0x3f: {  	v9 =	vsel vm5, $0x0, v12;
	vm9 =	vclass.f32 v6, $0x102;
	v7 =	vnsel vm8, $0x0, v7  }
0x40: {  	v6 =	vsel vm9, $0x0, v6;
	vm8 =	vclass.f32 v8, $0x102;
	v7 =	vmin.u32 v7, $0xF423E  }
0x41: {  	v1 =	vtrunc.f32 v1;
	v8 =	vsel vm8, $0x0, v8;
	v7 =	vsel vm7, $0xF423F, v7  }
0x42: {  	v3 =	vtrunc.f32 v3;
	v10 =	vtrunc.f32 v0;
	v0 =	vsel vm1, $0xF423F, v4;
	[tilespmem:s9+$0x6470] =	vst v7  }
0x43: {  	v4 =	vtrunc.f32 v9;
	v6 =	vtrunc.f32 v6;
	[tilespmem:s8+$0x6450] =	vst v0;
	v0 =	vsel vm0, $0xF423F, v5  }
0x44: {  	vm1 =	vmmov vm9;
	v7 =	vcvt.f32.s32 v2;
	v5 =	vtrunc.f32 v8;
	[tilespmem:s8+$0x6460] =	vst v0;
	s8 =	smov.u32 s9  }
.Ltmp0:
0x45: {  	vm0 =	vmmov vm8;
	v0 =	vcvt.f32.s32 v1;
	v1 =	vcvt.f32.s32 v3;
	(pc) =	sbr.rel @p0 .LBB2_2-.Ltmp0, $4  }
0x46: {  	v2 =	vcvt.f32.s32 v4;
	vm11 =	vgt.s32 v7, $0x0;
	v3 =	vcvt.f32.s32 v10  }
0x47: {  	v4 =	vcvt.f32.s32 v6;
	v5 =	vcvt.f32.s32 v5;
	vm7 =	vgt.s32 v0, $0x0  }
0x48: {  	vm8 =	vgt.s32 v2, $0x0;
	vm9 =	vgt.s32 v1, $0x0;
	vm10 =	vgt.s32 v3, $0x0  }
0x49: {  	s9 =	sshra.s32 s10, $0x2;
	s10 =	sadd.s32 $0x200, s10;
	v6 =	vnsel vm11, $0x0, v7;
	vm11 =	vgt.s32 v4, $0x0;
	vm12 =	vgt.s32 v5, $0x0  }
0x4a: {  	v7 =	vld [tilespmem:s9+$0x70]  }
0x4b: {  	v8 =	vld [tilespmem:s9+$0x0]  }
0x4c: {  	v0 =	vnsel vm7, $0x0, v0;
	v9 =	vld [tilespmem:s9+$0x10]  }
0x4d: {  	v1 =	vnsel vm9, $0x0, v1;
	v3 =	vnsel vm10, $0x0, v3;
	v2 =	vnsel vm8, $0x0, v2;
	v10 =	vld [tilespmem:s9+$0x20]  }
0x4e: {  	v4 =	vnsel vm11, $0x0, v4;
	v5 =	vnsel vm12, $0x0, v5;
	v6 =	vmin.u32 v6, $0xF423E;
	v11 =	vld [tilespmem:s9+$0x30]  }
0x4f: {  	v12 =	vld [tilespmem:s9+$0x40];
	v0 =	vmin.u32 v0, $0xF423E;
	v1 =	vmin.u32 v1, $0xF423E;
	v3 =	vmin.u32 v3, $0xF423E  }
0x50: {  	v2 =	vmin.u32 v2, $0xF423E;
	v4 =	vmin.u32 v4, $0xF423E;
	v6 =	vsel vm2, $0xF423F, v6  }
0x51: {  	v5 =	vmin.u32 v5, $0xF423E;
	v0 =	vsel vm3, $0xF423F, v0;
	v1 =	vsel vm4, $0xF423F, v1  }
0x52: {  	v3 =	vsel vm6, $0xF423F, v3;
	v51 =	vsel vm5, $0xF423F, v2;
	vm12 =	vclass.f32 v7, $0x102  }
0x53: {  	vm2 =	vclass.f32 v8, $0x102;
	vm6 =	vclass.f32 v9, $0x102;
	vm4 =	vclass.f32 v10, $0x102  }
0x54: {  	[tilespmem:s8+$0x6400] =	vst v6;
	vm3 =	vclass.f32 v11, $0x102;
	vm5 =	vclass.f32 v12, $0x102;
	v7 =	vsel vm12, $0x0, v7  }
0x55: {  	v50 =	vld [tilespmem:s9+$0x50];
	v52 =	vsel vm2, $0x0, v8;
	v9 =	vsel vm6, $0x0, v9;
	v10 =	vsel vm4, $0x0, v10  }
0x56: {  	[tilespmem:s8+$0x6410] =	vst v0;
	v11 =	vsel vm3, $0x0, v11;
	v49 =	vtrunc.f32 v7;
	v2 =	vtrunc.f32 v52  }
0x57: {  	v53 =	vld [tilespmem:s9+$0x60];
	v12 =	vsel vm5, $0x0, v12;
	v9 =	vtrunc.f32 v9;
	v10 =	vtrunc.f32 v10  }
0x58: {  	v4 =	vsel vm1, $0xF423F, v4;
	v11 =	vtrunc.f32 v11;
	v12 =	vtrunc.f32 v12  }
0x59: {  	v5 =	vsel vm0, $0xF423F, v5;
	v6 =	vcvt.f32.s32 v49;
	v2 =	vcvt.f32.s32 v2  }
0x5a: {  	vm14 =	vclass.f32 v50, $0x102;
	v9 =	vcvt.f32.s32 v9;
	v54 =	vcvt.f32.s32 v10  }
0x5b: {  	v55 =	vcvt.f32.s32 v11;
	v56 =	vcvt.f32.s32 v12;
	v7 =	vsel vm14, $0x0, v50  }
0x5c: {  	vm1 =	vclass.f32 v53, $0x102;
	vm0 =	vmmov vm14;
	vm13 =	vgt.s32 v6, $0x0  }
0x5d: {  	v8 =	vsel vm1, $0x0, v53;
	v7 =	vtrunc.f32 v7;
	vm15 =	vgt.s32 v2, $0x0  }
0x5e: {  	[tilespmem:s8+$0x6420] =	vst v1;
	vm8 =	vgt.s32 v9, $0x0;
	vm9 =	vgt.s32 v54, $0x0;
	v6 =	vnsel vm13, $0x0, v6  }
0x5f: {  	[tilespmem:s8+$0x6430] =	vst v3;
	vm10 =	vgt.s32 v55, $0x0;
	vm11 =	vgt.s32 v56, $0x0;
	v6 =	vmin.u32 v6, $0xF423E  }
0x60: {  	[tilespmem:s8+$0x6440] =	vst v51;
	v8 =	vtrunc.f32 v8;
	v7 =	vcvt.f32.s32 v7;
	v6 =	vsel vm12, $0xF423F, v6  }
0x61: {  	v2 =	vnsel vm15, $0x0, v2;
	v58 =	vnsel vm8, $0x0, v9;
	v1 =	vnsel vm9, $0x0, v54;
	[tilespmem:s9+$0x6470] =	vst v6  }
0x62: {  	v59 =	vnsel vm10, $0x0, v55;
	v60 =	vnsel vm11, $0x0, v56;
	v2 =	vmin.u32 v2, $0xF423E;
	[tilespmem:s8+$0x6450] =	vst v4  }
0x63: {  	v57 =	vcvt.f32.s32 v8;
	v1 =	vmin.u32 v1, $0xF423E;
	v2 =	vsel vm2, $0xF423F, v2;
	[tilespmem:s8+$0x6460] =	vst v5  }
0x64: {  	v61 =	vmin.u32 v59, $0xF423E;
	vm7 =	vgt.s32 v7, $0x0;
	v1 =	vsel vm4, $0xF423F, v1;
	[tilespmem:s9+$0x6400] =	vst v2  }
0x65: {  	v3 =	vsel vm3, $0xF423F, v61;
	v62 =	vnsel vm7, $0x0, v7;
	v4 =	vmin.u32 v58, $0xF423E;
	[tilespmem:s9+$0x6420] =	vst v1  }
0x66: {  	vm12 =	vgt.s32 v57, $0x0;
	v63 =	vmin.u32 v62, $0xF423E;
	v4 =	vsel vm6, $0xF423F, v4;
	[tilespmem:s9+$0x6430] =	vst v3  }
0x67: {  	v0 =	vnsel vm12, $0x0, v57;
	v2 =	vmin.u32 v60, $0xF423E;
	v1 =	vsel vm0, $0xF423F, v63;
	[tilespmem:s9+$0x6410] =	vst v4  }
0x68: {  	vm1 =	vmmov vm1;
	v0 =	vmin.u32 v0, $0xF423E;
	v2 =	vsel vm5, $0xF423F, v2;
	[tilespmem:s9+$0x6450] =	vst v1  }
0x69: {  	v0 =	vsel vm1, $0xF423F, v0;
	[tilespmem:s9+$0x6440] =	vst v2  }
0x6a: {  	s14 =	simm.s32 $0x6400;
	[tilespmem:s9+$0x6460] =	vst v0  }
0x6b: {  	[tilespmem:s24], [sflag:$0x1] =	stream.indirect.gather [hbm4b:s3+s22], $0x80, s14, s22, $0xb8;
	[tilespmem:$0x1C800] =	vst v63  }
0x6c: {  	s15 =	simm.s32 $0x6480  }
0x6d: {  	[tilespmem:s26], [sflag:$0x2] =	stream.indirect.gather [hbm4b:s3+s22], $0x80, s15, s22, $0xb8;
	[tilespmem:$0x1C800] =	vst v63  }
0x6e: {  	s17 =	simm.s32 $0x6500  }
0x6f: {  	[tilespmem:s29], [sflag:$0x3] =	stream.indirect.gather [hbm4b:s3+s22], $0x80, s17, s22, $0xb8;
	[tilespmem:$0x1C800] =	vst v63  }
0x70: {  	s9 =	simm.s32 $0x6580  }
0x71: {  	[tilespmem:s31], [sflag:$0x4] =	stream.indirect.gather [hbm4b:s3+s22], $0x80, s9, s22, $0xb8;
	[tilespmem:$0x1C800] =	vst v63  }
0x72: {  	_ =	swait.ge [sflag:s0], $0x4000  }
0x73: {  	[sflag:s0] =	ssyncset.done $0x0  }
0x74: {  	s10 =	simm.s32 $0x0;
	[sflag:s0] =	ssyncadd.s32 $0xFFFFC000  }
0x75: {  	[hbm4b:s7+s10] =	stream.linear.scatter [tilespmem:s24], [sflag:$0x5], $0x4000, $0x38;
	[tilespmem:$0x1C800] =	vst v63  }
0x76: {  	_ =	swait.ge [sflag:s2], $0x4000  }
0x77: {  	[sflag:s2] =	ssyncset.done $0x0  }
0x78: {  	s11 =	rddreg [dreg:$0x4];
	[sflag:s2] =	ssyncadd.s32 $0xFFFFC000  }
0x79: {  	[hbm4b:s11+s10] =	stream.linear.scatter [tilespmem:s26], [sflag:$0x6], $0x4000, $0x38;
	[tilespmem:$0x1C800] =	vst v63  }
0x7a: {  	_ =	swait.ge [sflag:s19], $0x4000  }
0x7b: {  	[sflag:s19] =	ssyncset.done $0x0  }
0x7c: {  	s13 =	simm.s32 $0x6600;
	[sflag:s19] =	ssyncadd.s32 $0xFFFFC000  }
0x7d: {  	[tilespmem:s24], [sflag:$0x1] =	stream.indirect.gather [hbm4b:s3+s22], $0x80, s13, s22, $0xb8;
	[tilespmem:$0x1C800] =	vst v63  }
0x7e: {  	_ =	swait.ge [sflag:s23], $0x4000  }
0x7f: {  	[sflag:s23] =	ssyncset.done $0x0  }
0x80: {  	s14 =	simm.s32 $0x6680;
	[sflag:s23] =	ssyncadd.s32 $0xFFFFC000  }
0x81: {  	[tilespmem:s26], [sflag:$0x2] =	stream.indirect.gather [hbm4b:s3+s22], $0x80, s14, s22, $0xb8;
	[tilespmem:$0x1C800] =	vst v63  }
0x82: {  	_ =	swait.ge [sflag:s28], $0x4000  }
0x83: {  	[sflag:s28] =	ssyncset.done $0x0  }
0x84: {  	s15 =	rddreg [dreg:$0x5];
	[sflag:s28] =	ssyncadd.s32 $0xFFFFC000  }
0x85: {  	[hbm4b:s15+s10] =	stream.linear.scatter [tilespmem:s29], [sflag:$0x7], $0x4000, $0x38;
	[tilespmem:$0x1C800] =	vst v63  }
0x86: {  	_ =	swait.ge [sflag:s30], $0x4000  }
0x87: {  	[sflag:s30] =	ssyncset.done $0x0  }
0x88: {  	s17 =	rddreg [dreg:$0x6];
	[sflag:s30] =	ssyncadd.s32 $0xFFFFC000  }
0x89: {  	[hbm4b:s17+s10] =	stream.linear.scatter [tilespmem:s31], [sflag:$0x8], $0x4000, $0x38;
	[tilespmem:$0x1C800] =	vst v63  }
0x8a: {  	_ =	swait.ge [sflag:s20], $0x4000  }
0x8b: {  	[sflag:s20] =	ssyncset.done $0x0  }
0x8c: {  	s10 =	simm.s32 $0x6700;
	[sflag:s20] =	ssyncadd.s32 $0xFFFFC000  }
0x8d: {  	[tilespmem:s29], [sflag:$0x3] =	stream.indirect.gather [hbm4b:s3+s22], $0x80, s10, s22, $0xb8;
	[tilespmem:$0x1C800] =	vst v63  }
0x8e: {  	_ =	swait.ge [sflag:s25], $0x4000  }
0x8f: {  	[sflag:s25] =	ssyncset.done $0x0  }
0x90: {  	s11 =	simm.s32 $0x6780;
	[sflag:s25] =	ssyncadd.s32 $0xFFFFC000  }
0x91: {  	[tilespmem:s31], [sflag:$0x4] =	stream.indirect.gather [hbm4b:s3+s22], $0x80, s11, s22, $0xb8;
	[tilespmem:$0x1C800] =	vst v63  }
0x92: {  	_ =	swait.ge [sflag:s0], $0x4000  }
0x93: {  	s13 =	sshrl.u32 s16, $0x3;
	[sflag:s0] =	ssyncset.done $0x0  }
0x94: {  	s14 =	sadd.s32 s4, s13;
	[sflag:s0] =	ssyncadd.s32 $0xFFFFC000  }
0x95: {  	[hbm4b:s14+s1] =	stream.linear.scatter [tilespmem:s24], [sflag:$0x5], $0x4000, $0x38;
	[tilespmem:$0x1C800] =	vst v63  }
0x96: {  	_ =	swait.ge [sflag:s2], $0x4000  }
0x97: {  	[sflag:s2] =	ssyncset.done $0x0  }
0x98: {  	s8 =	sadd.s32 s13, s5;
	[sflag:s2] =	ssyncadd.s32 $0xFFFFC000  }
0x99: {  	[hbm4b:s8+s1] =	stream.linear.scatter [tilespmem:s26], [sflag:$0x6], $0x4000, $0x38;
	[tilespmem:$0x1C800] =	vst v63  }
0x9a: {  	_ =	swait.ge [sflag:s19], $0x4000  }
0x9b: {  	[sflag:s19] =	ssyncset.done $0x0  }
0x9c: {  	s15 =	simm.s32 $0x6800;
	[sflag:s19] =	ssyncadd.s32 $0xFFFFC000  }
0x9d: {  	[tilespmem:s24], [sflag:$0x1] =	stream.indirect.gather [hbm4b:s3+s22], $0x80, s15, s22, $0xb8;
	[tilespmem:$0x1C800] =	vst v63  }
0x9e: {  	_ =	swait.ge [sflag:s23], $0x4000  }
0x9f: {  	[sflag:s23] =	ssyncset.done $0x0  }
0xa0: {  	s17 =	simm.s32 $0x6880;
	[sflag:s23] =	ssyncadd.s32 $0xFFFFC000  }
0xa1: {  	[tilespmem:s26], [sflag:$0x2] =	stream.indirect.gather [hbm4b:s3+s22], $0x80, s17, s22, $0xb8;
	[tilespmem:$0x1C800] =	vst v63  }
0xa2: {  	_ =	swait.ge [sflag:s28], $0x4000  }
0xa3: {  	[sflag:s28] =	ssyncset.done $0x0  }
0xa4: {  	[sflag:s28] =	ssyncadd.s32 $0xFFFFC000  }
0xa5: {  	[hbm4b:s18+s1] =	stream.linear.scatter [tilespmem:s29], [sflag:$0x7], $0x4000, $0x38;
	[tilespmem:$0x1C800] =	vst v63  }
0xa6: {  	s9 =	sadd.s32 $0x40000, s18;
	_ =	swait.ge [sflag:s30], $0x4000  }
0xa7: {  	s10 =	sadd.s32 $0x200000, s16;
	s11 =	sadd.s32 $0x40000, s12;
	[sflag:s30] =	ssyncset.done $0x0  }
0xa8: {  	s8 =	simm.s32 $0x800;
	s17 =	smov.u32 s12;
	[sflag:s30] =	ssyncadd.s32 $0xFFFFC000  }
.LBB2_4:
0xa9: {  	[hbm4b:s17+s1] =	stream.linear.scatter [tilespmem:s31], [sflag:$0x8], $0x4000, $0x38;
	[tilespmem:$0x1C800] =	vst v63  }
0xaa: {  	s13 =	smov.u32 s8;
	s17 =	smov.u32 s11  }
0xab: {  	p0 =	sne.s32 s8, $0x17800;
	s8 =	sadd.s32 $0x800, s8;
	_ =	swait.ge [sflag:s20], $0x4000  }
0xac: {  	s13 =	sshra.s32 s13, $0x2;
	[sflag:s20] =	ssyncset.done $0x0  }
0xad: {  	s14 =	sadd.s32 $0x6700, s13;
	[sflag:s20] =	ssyncadd.s32 $0xFFFFC000  }
0xae: {  	[tilespmem:s29], [sflag:$0x3] =	stream.indirect.gather [hbm4b:s3+s22], $0x80, s14, s22, $0xb8;
	[tilespmem:$0x1C800] =	vst v63  }
0xaf: {  	_ =	swait.ge [sflag:s25], $0x4000  }
0xb0: {  	[sflag:s25] =	ssyncset.done $0x0  }
0xb1: {  	s14 =	sadd.s32 $0x6780, s13;
	[sflag:s25] =	ssyncadd.s32 $0xFFFFC000  }
0xb2: {  	[tilespmem:s31], [sflag:$0x4] =	stream.indirect.gather [hbm4b:s3+s22], $0x80, s14, s22, $0xb8;
	[tilespmem:$0x1C800] =	vst v63  }
0xb3: {  	_ =	swait.ge [sflag:s0], $0x4000  }
0xb4: {  	s14 =	sshrl.u32 s10, $0x3;
	[sflag:s0] =	ssyncset.done $0x0  }
0xb5: {  	s15 =	sadd.s32 s4, s14;
	[sflag:s0] =	ssyncadd.s32 $0xFFFFC000  }
0xb6: {  	[hbm4b:s15+s1] =	stream.linear.scatter [tilespmem:s24], [sflag:$0x5], $0x4000, $0x38;
	[tilespmem:$0x1C800] =	vst v63  }
0xb7: {  	_ =	swait.ge [sflag:s2], $0x4000  }
0xb8: {  	[sflag:s2] =	ssyncset.done $0x0  }
0xb9: {  	s14 =	sadd.s32 s14, s5;
	[sflag:s2] =	ssyncadd.s32 $0xFFFFC000  }
0xba: {  	[hbm4b:s14+s1] =	stream.linear.scatter [tilespmem:s26], [sflag:$0x6], $0x4000, $0x38;
	[tilespmem:$0x1C800] =	vst v63  }
0xbb: {  	_ =	swait.ge [sflag:s19], $0x4000  }
0xbc: {  	[sflag:s19] =	ssyncset.done $0x0  }
0xbd: {  	s14 =	sadd.s32 $0x6800, s13;
	[sflag:s19] =	ssyncadd.s32 $0xFFFFC000  }
0xbe: {  	[tilespmem:s24], [sflag:$0x1] =	stream.indirect.gather [hbm4b:s3+s22], $0x80, s14, s22, $0xb8;
	[tilespmem:$0x1C800] =	vst v63  }
0xbf: {  	_ =	swait.ge [sflag:s23], $0x4000  }
0xc0: {  	[sflag:s23] =	ssyncset.done $0x0  }
0xc1: {  	s13 =	sadd.s32 $0x6880, s13;
	[sflag:s23] =	ssyncadd.s32 $0xFFFFC000  }
0xc2: {  	[tilespmem:s26], [sflag:$0x2] =	stream.indirect.gather [hbm4b:s3+s22], $0x80, s13, s22, $0xb8;
	[tilespmem:$0x1C800] =	vst v63  }
0xc3: {  	_ =	swait.ge [sflag:s28], $0x4000  }
0xc4: {  	[sflag:s28] =	ssyncset.done $0x0  }
.Ltmp1:
0xc5: {  	[sflag:s28] =	ssyncadd.s32 $0xFFFFC000;
	(pc) =	sbr.rel @p0 .LBB2_4-.Ltmp1, $4  }
0xc6: {  	[hbm4b:s9+s1] =	stream.linear.scatter [tilespmem:s29], [sflag:$0x7], $0x4000, $0x38;
	[tilespmem:$0x1C800] =	vst v63  }
0xc7: {  	_ =	swait.ge [sflag:s30], $0x4000  }
0xc8: {  	s9 =	sadd.s32 $0x40000, s9;
	[sflag:s30] =	ssyncset.done $0x0  }
0xc9: {  	s11 =	sadd.s32 $0x40000, s11;
	s10 =	sadd.s32 $0x200000, s10;
	[sflag:s30] =	ssyncadd.s32 $0xFFFFC000  }
0xca: {  	[hbm4b:s17+s1] =	stream.linear.scatter [tilespmem:s31], [sflag:$0x8], $0x4000, $0x38;
	[tilespmem:$0x1C800] =	vst v63  }
0xcb: {  	_ =	swait.ge [sflag:s20], $0x4000  }
0xcc: {  	[sflag:s20] =	ssyncset.done $0x0  }
0xcd: {  	s8 =	simm.s32 $0xC700;
	[sflag:s20] =	ssyncadd.s32 $0xFFFFC000  }
0xce: {  	[tilespmem:s29], [sflag:$0x3] =	stream.indirect.gather [hbm4b:s3+s22], $0x80, s8, s22, $0xb8;
	[tilespmem:$0x1C800] =	vst v63  }
0xcf: {  	_ =	swait.ge [sflag:s25], $0x4000  }
0xd0: {  	[sflag:s25] =	ssyncset.done $0x0  }
0xd1: {  	s10 =	simm.s32 $0xC780;
	[sflag:s25] =	ssyncadd.s32 $0xFFFFC000  }
0xd2: {  	[tilespmem:s31], [sflag:$0x4] =	stream.indirect.gather [hbm4b:s3+s22], $0x80, s10, s22, $0xb8;
	[tilespmem:$0x1C800] =	vst v63  }
0xd3: {  	_ =	swait.ge [sflag:s0], $0x4000  }
0xd4: {  	[sflag:s0] =	ssyncset.done $0x0  }
0xd5: {  	s11 =	rddreg [dreg:$0x7];
	[sflag:s0] =	ssyncadd.s32 $0xFFFFC000  }
0xd6: {  	[hbm4b:s11+s1] =	stream.linear.scatter [tilespmem:s24], [sflag:$0x5], $0x4000, $0x38;
	[tilespmem:$0x1C800] =	vst v63  }
0xd7: {  	_ =	swait.ge [sflag:s2], $0x4000  }
0xd8: {  	[sflag:s2] =	ssyncset.done $0x0  }
0xd9: {  	s13 =	rddreg [dreg:$0x8];
	[sflag:s2] =	ssyncadd.s32 $0xFFFFC000  }
0xda: {  	[hbm4b:s13+s1] =	stream.linear.scatter [tilespmem:s26], [sflag:$0x6], $0x4000, $0x38;
	[tilespmem:$0x1C800] =	vst v63  }
0xdb: {  	_ =	swait.ge [sflag:s19], $0x4000  }
0xdc: {  	[sflag:s19] =	ssyncset.done $0x0  }
0xdd: {  	[sflag:s19] =	ssyncadd.s32 $0xFFFFC000  }
0xde: {  	_ =	swait.ge [sflag:s23], $0x4000  }
0xdf: {  	[sflag:s23] =	ssyncset.done $0x0  }
0xe0: {  	[sflag:s23] =	ssyncadd.s32 $0xFFFFC000  }
0xe1: {  	_ =	swait.ge [sflag:s28], $0x4000  }
0xe2: {  	[sflag:s28] =	ssyncset.done $0x0  }
0xe3: {  	s14 =	rddreg [dreg:$0x9];
	[sflag:s28] =	ssyncadd.s32 $0xFFFFC000  }
0xe4: {  	[hbm4b:s14+s1] =	stream.linear.scatter [tilespmem:s29], [sflag:$0x7], $0x4000, $0x38;
	[tilespmem:$0x1C800] =	vst v63  }
0xe5: {  	_ =	swait.ge [sflag:s30], $0x4000  }
0xe6: {  	[sflag:s30] =	ssyncset.done $0x0  }
0xe7: {  	s15 =	rddreg [dreg:$0xa];
	[sflag:s30] =	ssyncadd.s32 $0xFFFFC000  }
0xe8: {  	[hbm4b:s15+s1] =	stream.linear.scatter [tilespmem:s31], [sflag:$0x8], $0x4000, $0x38;
	[tilespmem:$0x1C800] =	vst v63  }
0xe9: {  	_ =	swait.ge [sflag:s20], $0x4000  }
0xea: {  	[sflag:s20] =	ssyncset.done $0x0  }
0xeb: {  	[sflag:s20] =	ssyncadd.s32 $0xFFFFC000  }
0xec: {  	_ =	swait.ge [sflag:s25], $0x4000  }
0xed: {  	s6 =	sadd.s32 $0x1, s6;
	s17 =	rddreg [dreg:$0xb]  }
0xee: {  	p0 =	sne.s32 s6, s17  }
.Ltmp2:
0xef: {  	_ = 	snop;
	(pc) =	sbr.rel @p0 .LBB2_1-.Ltmp2, $3  }
0xf0: {  	_ =	sdelay $0x1  }
0xf1: {  	[sflag:s25] =	ssyncset.done $0x0  }
0xf2: {  	[sflag:s25] =	ssyncadd.s32 $0xFFFFC000  }
0xf3: {  	_ =	sfence.sel $0x180000  }
0xf4: {  	[bflag:$0x0] =	sbarrier.arrive $0xFFFF  }
0xf5: {  	_ =	strace $0x90000047  }
0xf6: {  	s0 =	stileid.u32;
	[bflag:$0x2] =	sbarrier.arrive $0xFFFF  }
0xf7: {  	p0 =	sne.s32 s0, $0x0;
	s0 =	rddreg [dreg:$0x2]  }
0xf8: {  	s0 =	sadd.s32 @!p0 $0x100000, s0  }
0xf9: {  	[sflag:s0] =	ssyncadd.tile.s32 @!p0 $0x1;
	_ =	shalt  }
.Lfunc_end2:
_tile_overlayer_lowered:
.L_overlay_start_2:
0xfa: {  	(tag) =	ssettag $0x2  }
0xfb: {  	s0 =	rddreg [dreg:$0x0];
	s2 =	stileid.u32  }
0xfc: {  	s1 =	rddreg [dreg:$0x1];
	p0 =	sne.s32 s2, $0x0  }
0xfd: {  	s3 =	rddreg [dreg:$0x2];
	[bflag:$0x3] =	sbarrier.arrive $0xFFFF;
	s2 =	simm.s32 @!p0 $0x1C09  }
0xfe: {  	[timem:s3], [sflag:s2] =	dma.local @!p0 [hbm:s0], s1  }
0xff: {  	s0 =	simm.s32 @!p0 $0x9  }
0x100: {  	_ =	swait.ge @!p0 [sflag:s0], s1  }
0x101: {  	s1 =	ssub.s32 @!p0 $0x0, s1;
	[sflag:s0] =	ssyncset.done @!p0 $0x0  }
0x102: {  	[sflag:s0] =	ssyncadd.s32 @!p0 s1  }
0x103: {  	[bflag:$0x3] =	sbarrier.arrive $0xFFFF  }
0x104: {  	_ =	shalt  }

// kernel: sparse-core-data-format-call.cloned.1.call-start
scs
called_computation_lowered:
.L_overlay_start_0:
0x0: {  	s2 =	sld [smem:$0x3FD9]  }
0x1: {  	s3 =	sld [smem:$0x3FFE];
	_ =	sdelay $0x1  }
0x2: {  	s1 =	srdreg.scid  }
0x3: {  	s0 =	sand.u32 $0x1, s1  }
0x4: {  	s18 =	sshll.u32 s0, $0xA;
	s2 =	sadd.s32 s3, s2  }
0x5: {  	s2 =	sadd.s32 s2, s18  }
0x6: {  	[smem:$0x3FC6] =	sst s2  }
0x7: {  	_ = 	snop  }
0x8: {  	s2 =	sld [smem:$0x3FD0];
	(tm) =	ssettm $0x1  }
0x9: {  	s19 =	sld [smem:$0x3FFB];
	_ =	sdelay $0x3  }
0xa: {  	_ =	strace s19  }
0xb: {  	s3 =	sld [smem:$0x3FFC];
	_ =	sdelay $0x3  }
0xc: {  	_ =	strace s3  }
0xd: {  	s3 =	sld [smem:$0x3FFD];
	_ =	sdelay $0x3  }
0xe: {  	_ =	strace s3  }
0xf: {  	_ =	strace $0x8FFFFFFF  }
0x10: {  	s20 =	sld [smem:$0x3FDB];
	_ =	sdelay $0x1  }
0x11: {  	s4 =	simm.s32 $_scs_section_size  }
0x12: {  	s5 =	simm.s32 $_size__tile_overlayer_lowered;
	s6 =	simm.s32 $_tile_overlayer_lowered  }
0x13: {  	s23 =	simm.s32 $0x1BFF;
	s22 =	sshll.u32 s6, $0x1;
	s3 =	sadd.s32 s4, s20  }
0x14: {  	s7 =	simm.s32 $0x0;
	s21 =	sshll.u32 s5, $0x1;
	s5 =	sadd.s32 s22, s3  }
0x15: {  	[timem:s7], [sflag:s23] =	dma.local [hbm:s5], s21  }
0x16: {  	_ =	swait.ge [sflag:s23], s21  }
0x17: {  	s4 =	ssub.s32 $0x0, s21;
	[sflag:s23] =	ssyncset.done $0x0  }
0x18: {  	[sflag:s23] =	ssyncadd.s32 s4;
	_ =	sdelay $0x1  }
0x19: {  	s24 =	simm.s32 $0x1B8B  }
0x1a: {  	_ =	swait.ge [sflag:s24], $0x1  }
0x1b: {  	[sflag:s24] =	ssyncset.done $0x0  }
0x1c: {  	s26 =	simm.s32 $0x1B8E;
	s25 =	sld [smem:$0x3FFE];
	[sflag:s24] =	ssyncadd.s32 $0xFFFFFFFF  }
0x1d: {  	s27 =	simm.s32 $execute0_lowered;
	[smem:$0x3FD2] =	sst s26  }
0x1e: {  	s5 =	sshll.u32 s27, $0x1;
	_ =	strace $0x80000049;
	[dreg:$0x1] =	wrdreg $0xFFFFFFFF  }
0x1f: {  	s28 =	simm.s32 $_size_execute0_lowered;
	s3 =	sadd.s32 s3, s5;
	[dreg:$0x0] =	wrdreg $0x0  }
0x20: {  	s5 =	sshll.u32 s28, $0x1;
	[dreg:$0x2] =	wrdreg s3  }
0x21: {  	[dreg:$0x3] =	wrdreg s5  }
0x22: {  	[dreg:$0x4] =	wrdreg $0xC0  }
0x23: {  	_ =	task [dreg:s7], $0x5FFFF  }
0x24: {  	[dreg:$0x1] =	wrdreg $0xFFFFFFFF  }
0x25: {  	[dreg:$0x0] =	wrdreg $0x60  }
0x26: {  	[dreg:$0x2] =	wrdreg s25  }
0x27: {  	[dreg:$0x3] =	wrdreg s2  }
0x28: {  	[dreg:$0x4] =	wrdreg $0x9  }
0x29: {  	_ =	task.clear_ibuf [dreg:s7], $0x5FFFF;
	_ =	strace $0x90000049  }
0x2a: {  	s29 =	simm.s32 $0x9;
	_ =	strace $0x8000004B  }
0x2b: {  	_ =	swait.ge [sflag:s29], $0x1  }
0x2c: {  	[sflag:s29] =	ssyncadd.s32 $0xFFFFFFFF  }
0x2d: {  	_ =	strace $0x9000004B  }
0x2e: {  	_ =	sfence  }
0x2f: {  	s30 =	sld [smem:$0x0];
	_ =	sdelay $0x2  }
0x30: {  	s31 =	sshll.u32 s1, $0xD;
	s1 =	sshrl.u32 s1, $0x2  }
0x31: {  	s3 =	sand.u32 $0x4000, s31;
	s1 =	sadd.s32 s1, s30  }
0x32: {  	s0 =	sor.u32 s3, s0;
	s1 =	sshll.u32 s1, $0x11  }
0x33: {  	s0 =	sor.u32 s1, s0  }
0x34: {  	s0 =	sadd.s32 $0x8F2B, s0  }
0x35: {  	[sflag:s0] =	ssyncadd.remote.s32 $0x1  }
0x36: {  	_ =	sfence.sel $0xFFFF  }
0x37: {  	[dreg:$0x0] =	wrdreg $0xFFFFFFFF;
	(pc) =	sbr.abs _section_cstart, $3  }
0x38: {  	[dreg:$0x1] =	wrdreg $0xFFFFFFFF  }
0x39: {  	_ =	task.clear_ibuf [dreg:s7], $0x2FFFF;
	_ =	strace $0x9FFFFFFF  }
0x3a: {  	(tm) =	ssettm $0x7FFFFFFF  }
0x3b: {  	_ =	shalt  }
tec
execute0_lowered:
.L_overlay_start_1:
0x0: {  	(tag) =	ssettag $0x1  }
0x1: {  	s0 =	srdreg.scid  }
0x2: {  	s1 =	sshll.u32 s0, $0x4  }
0x3: {  	s5 =	rddreg [dreg:$0x0];
	s0 =	stileid.u32;
	s1 =	sand.u32 $0x10, s1  }
0x4: {  	s3 =	rddreg [dreg:$0x1];
	s31 =	simm.s32 $0x2;
	s4 =	sor.u32 s0, s1  }
0x5: {  	s13 =	simm.s32 $0x0;
	s9 =	simm.s32 $0x400;
	s2 =	sshll.u32 s4, $0x7  }
0x6: {  	s10 =	simm.s32 $0x8000;
	s14 =	simm.s32 $0x0;
	s6 =	ssub.s32 $0x1000, s2  }
0x7: {  	s1 =	rddreg [dreg:$0x2];
	_ =	strace $0x8000004A;
	s7 =	sand.u32 $0xF80, s6  }
0x8: {  	s4 =	sshll.u32 s4, $0xB;
	p0 =	sne.s32 s7, $0x0;
	s7 =	simm.s32 $0x1  }
.Ltmp0:
0x9: {  	s6 =	sshrl.u32 s6, $0xC;
	s7 =	simm.s32 @!p0 $0x0;
	(pc) =	sbr.rel .LBB1_1-.Ltmp0, $4  }
0xa: {  	s8 =	sadd.s32 s4, s5;
	s4 =	simm.s32 $0x1;
	s30 =	sadd.s32 s7, s6  }
0xb: {  	s11 =	simm.s32 $0x0;
	[sflag:s4] =	ssyncpa.u1 $0x0;
	s5 =	smul.u32 $0x64, s30  }
0xc: {  	s12 =	simm.s32 $0x0;
	[sflag:s31] =	ssyncpa.u1 $0x0;
	p0 =	por $0x0, $0x0  }
0xd: {  	s6 =	sadd.s32 $0xA00, s8;
	s7 =	sadd.s32 $0x10A00, s8;
	s8 =	sor.u32 $0x1, s5  }
.LBB1_7:
0xe: {  	s15 =	sadd.s32 $0x2, s11  }
0xf: {  	p2 =	sgt.s32 s15, $0xC7  }
0x10: {  	s15 =	simm.s32 @p2 $0x0;
	p2 =	sne.s32 s12, s8  }
.Ltmp1:
0x11: {  	p1 =	slt.u32 s12, $0x2;
	(pc) =	sbr.rel @!p2 .LBB1_8-.Ltmp1, $4  }
0x12: {  	s13 =	simm.s32 @!p1 $0x2  }
0x13: {  	s16 =	sadd.s32 $0x1, s12;
	s14 =	smov.u32 s11;
	_ =	swait.ge @!p1 [sflag:s13], $0x4000  }
0x14: {  	p0 =	por !p0, !p0;
	s12 =	smov.u32 s16;
	[sflag:s13] =	ssyncset.done @!p1 $0x0  }
0x15: {  	s11 =	smov.u32 s15;
	[sflag:s13] =	ssyncadd.s32 @!p1 $0xFFFFC000;
	s13 =	smov.u32 s2  }
.LBB1_1:
0x16: {  	p1 =	sge.u32 s12, s5  }
0x17: {  	s15 =	sxor.u32 @!p1 $0xFFFFFFFF, s12  }
0x18: {  	s16 =	sshll.u32 @!p1 s11, $0x10;
	s18 =	simm.s32 @!p1 $0x40;
	s15 =	sshll.u32 @!p1 s15, $0xE  }
0x19: {  	s19 =	simm.s32 @!p1 $0x80;
	s17 =	sadd.s32 @!p1 s16, s6;
	s15 =	sand.u32 @!p1 $0x4000, s15  }
0x1a: {  	[tilespmem:s15], [sflag:$0x1] =	stream.strided.gather @!p1 [hbm4b:s17+s18], $0x2000, s19, s18, $0x38;
	[tilespmem:$0x10100] =	vst v63  }
0x1b: {  	s31 =	sadd.s32 $0xFFFFFFFF, s12;
	s16 =	sadd.s32 @!p1 s16, s7;
	s15 =	sor.u32 @!p1 $0x2000, s15  }
0x1c: {  	[tilespmem:s15], [sflag:$0x1] =	stream.strided.gather @!p1 [hbm4b:s16+s18], $0x2000, s19, s18, $0x38;
	[tilespmem:$0x10100] =	vst v63  }
0x1d: {  	p1 =	sge.u32 s31, s5  }
.Ltmp2:
0x1e: {  	_ = 	snop;
	(pc) =	sbr.rel @p1 .LBB1_7-.Ltmp2, $1  }
0x1f: {  	_ =	sdelay $0x3  }
0x20: {  	s15 =	simm.s32 $0x1;
	s17 =	sand.u32 $0x1, s12  }
0x21: {  	_ =	swait.ge [sflag:s4], $0x4000;
	s15 =	simm.s32 @!p0 $0x0;
	s17 =	smul.u32 $0x10200, s17  }
0x22: {  	p2 =	por $0x1, $0x1;
	[sflag:s4] =	ssyncset.done $0x0;
	s16 =	smul.u32 $0x10200, s15  }
0x23: {  	s18 =	sshll.u32 s15, $0x10;
	[sflag:s4] =	ssyncadd.s32 $0xFFFFC000;
	s30 =	sshrl.u32 s17, $0x2  }
0x24: {  	s31 =	sshrl.u32 s18, $0x2;
	s18 =	simm.s32 $0x0;
	s16 =	sshrl.u32 s16, $0x2  }
0x25: {  	s15 =	sor.u32 $0x8000, s30;
	s17 =	sadd.s32 $0x20, s31;
	s16 =	sor.u32 $0x8000, s16  }
.LBB1_3:
0x26: {  	s19 =	sshll.u32 s18, $0xD  }
0x27: {  	s19 =	sand.u32 $0x3FFFE000, s19  }
0x28: {  	s21 =	sadd.s32 s19, s17  }
0x29: {  	s31 =	smul.u32 $0x8100, s18;
	v3 =	vld [tilespmem:s21+$0x10]  }
0x2a: {  	v1 =	vld [tilespmem:s21+$0xFFFFFFF0]  }
0x2b: {  	s18 =	sshra.s32 s31, $0x2;
	v0 =	vld [tilespmem:s21+$0x0]  }
0x2c: {  	s18 =	sadd.s32 s18, s16;
	v2 =	vld [tilespmem:s21+$0xFFFFFFE0]  }
0x2d: {  	s19 =	sadd.s32 $0x0, s18  }
0x2e: {  	p1 =	por p2, p2;
	s20 =	simm.s32 $0x4;
	s21 =	sadd.s32 $0x40, s21;
	[tilespmem:s19+$0x1830 ss:$0x81] =	vst.msk $0xffff, v3  }
.LBB1_4:
0x2f: {  	v3 =	vld [tilespmem:s21+$0x10];
	p2 =	sne.s32 s20, $0x1FC;
	[tilespmem:s19+$0x810 ss:$0x81] =	vst.msk $0xffff, v1;
	s22 =	smov.u32 s20;
	s20 =	sadd.s32 $0x4, s20  }
.Ltmp3:
0x30: {  	v1 =	vld [tilespmem:s21+$0xFFFFFFF0];
	[tilespmem:s19+$0x1020 ss:$0x81] =	vst.msk $0xffff, v0;
	(pc) =	sbr.rel @p2 .LBB1_4-.Ltmp3, $4  }
0x31: {  	v0 =	vld [tilespmem:s21+$0x0];
	[tilespmem:s19+$0x0 ss:$0x81] =	vst.msk $0xffff, v2  }
0x32: {  	s19 =	sshra.s32 s22, $0x2;
	v2 =	vld [tilespmem:s21+$0xFFFFFFE0]  }
0x33: {  	s19 =	sadd.s32 s19, s18  }
0x34: {  	s21 =	sadd.s32 $0x40, s21;
	[tilespmem:s19+$0x1830 ss:$0x81] =	vst.msk $0xffff, v3  }
.Ltmp4:
0x35: {  	(pc) =	sbr.rel @p1 .LBB1_3-.Ltmp4, $4  }
0x36: {  	_ = 	snop  }
0x37: {  	[tilespmem:s19+$0x810 ss:$0x81] =	vst.msk $0xffff, v1  }
0x38: {  	[tilespmem:s19+$0x1020 ss:$0x81] =	vst.msk $0xffff, v0  }
0x39: {  	s18 =	simm.s32 $0x1;
	p2 =	por $0x0, $0x0;
	[tilespmem:s19+$0x0 ss:$0x81] =	vst.msk $0xffff, v2  }
.Ltmp5:
0x3a: {  	(pc) =	sbr.rel .LBB1_7-.Ltmp5, $4  }
0x3b: {  	s14 =	sshll.u32 s14, $0xF  }
0x3c: {  	s14 =	sadd.s32 s3, s14  }
0x3d: {  	s13 =	sadd.s32 s13, s14  }
0x3e: {  	[hbm4b:s13+s9] =	stream.strided.scatter [tilespmem:s15], [sflag:$0x2], $0x4000, s10, s9, $0x20;
	[tilespmem:$0x10100] =	vst v63  }
.LBB1_8:
0x3f: {  	_ =	sfence.sel $0x180000  }
0x40: {  	s2 =	simm.s32 $0x1;
	[bflag:$0x0] =	sbarrier.arrive $0xFFFF  }
0x41: {  	s31 =	simm.s32 $0x2;
	[sflag:s2] =	ssyncpa.u1 $0x1  }
0x42: {  	[sflag:s31] =	ssyncpa.u1 $0x1  }
0x43: {  	p0 =	sne.s32 s0, $0x0;
	_ =	strace $0x9000004A  }
0x44: {  	s0 =	sadd.s32 @!p0 $0x100000, s1;
	[bflag:$0x2] =	sbarrier.arrive $0xFFFF  }
0x45: {  	[sflag:s0] =	ssyncadd.tile.s32 @!p0 $0x1;
	_ =	shalt  }
.Lfunc_end1:
_tile_overlayer_lowered:
.L_overlay_start_2:
0x46: {  	(tag) =	ssettag $0x2  }
0x47: {  	s0 =	rddreg [dreg:$0x0];
	s2 =	stileid.u32  }
0x48: {  	s1 =	rddreg [dreg:$0x1];
	p0 =	sne.s32 s2, $0x0  }
0x49: {  	s3 =	rddreg [dreg:$0x2];
	[bflag:$0x3] =	sbarrier.arrive $0xFFFF;
	s2 =	simm.s32 @!p0 $0x1C01  }
0x4a: {  	[timem:s3], [sflag:s2] =	dma.local @!p0 [hbm:s0], s1  }
0x4b: {  	s0 =	simm.s32 @!p0 $0x1  }
0x4c: {  	_ =	swait.ge @!p0 [sflag:s0], s1  }
0x4d: {  	s1 =	ssub.s32 @!p0 $0x0, s1;
	[sflag:s0] =	ssyncset.done @!p0 $0x0  }
0x4e: {  	[sflag:s0] =	ssyncadd.s32 @!p0 s1  }
0x4f: {  	[bflag:$0x3] =	sbarrier.arrive $0xFFFF  }
0x50: {  	_ =	shalt  }

</sc_bundles>
